<compile_context>
chip_gen: v7x
topology: tpu7x:2x2x1
jax: 0.10.2.dev20260603
libtpu: 0.0.44.dev20260713+nightly
codegen_flags: <defaults>
</compile_context>

<pallas_src>
import jax
import jax.numpy as jnp
from jax import lax
from jax.experimental import pallas as pl
from jax.experimental.pallas import tpu as pltpu
from jax.experimental.pallas import tpu_sc as plsc

_NC = 2
_NS = 16
_NW = _NC * _NS

_CHUNK = 256
_IPG = 128
_GPC = _CHUNK // _IPG
_RING = 4

_TPACK = 1250


def _pack_body(x_ref, y_ref):
    x = x_ref[...]
    for i in range(8):
        y_ref[:, i, 0:64] = x[:, (2 * i) // 8, (2 * i) % 8, :]
        y_ref[:, i, 64:128] = x[:, (2 * i + 1) // 8, (2 * i + 1) % 8, :]


def _pack(w4):
    G = w4.shape[0]
    return pl.pallas_call(
        _pack_body,
        grid=(G // _TPACK,),
        in_specs=[pl.BlockSpec((_TPACK, 2, 8, 64), lambda j: (j, 0, 0, 0))],
        out_specs=pl.BlockSpec((_TPACK, 8, 128), lambda j: (j, 0, 0)),
        out_shape=jax.ShapeDtypeStruct((G, 8, 128), jnp.float32),
        compiler_params=pltpu.CompilerParams(
            vmem_limit_bytes=100 * 1024 * 1024
        ),
    )(w4)


def _body(idx_hbm, table_hbm, out_hbm, idx_v, rows_v, gsem, osem):
    cpw = idx_hbm.shape[1] // _GPC
    wid = lax.axis_index("s") * _NC + lax.axis_index("c")
    pltpu.sync_copy(idx_hbm.at[wid], idx_v)
    out_base = wid * cpw

    def fire_gathers(g, b):
        for j in range(_GPC):
            pltpu.async_copy(
                table_hbm.at[idx_v.at[g * _GPC + j]],
                rows_v.at[b, pl.ds(j * _IPG, _IPG)],
                gsem.at[b],
            )

    def drain_gathers(b):
        pltpu.make_async_copy(
            out_hbm.at[pl.ds(0, _CHUNK)], rows_v.at[b], gsem.at[b]
        ).wait()

    def out_slice(g):
        base = pl.multiple_of((out_base + g) * _CHUNK, _CHUNK)
        return out_hbm.at[pl.ds(base, _CHUNK)]

    for b in range(_RING):
        fire_gathers(b, b)

    @pl.loop(0, cpw - _RING, step=_RING)
    def _steady(i):
        for b in range(_RING):
            g = i + b
            drain_gathers(b)
            pltpu.async_copy(rows_v.at[b], out_slice(g), osem.at[b])
            pltpu.make_async_copy(
                rows_v.at[b], out_hbm.at[pl.ds(0, _CHUNK)], osem.at[b]
            ).wait()
            fire_gathers(g + _RING, b)

    for b in range(_RING):
        g = cpw - _RING + b
        drain_gathers(b)
        pltpu.sync_copy(rows_v.at[b], out_slice(g))


def kernel(token_ids, W):
    S, T = token_ids.shape
    D = W.shape[1]
    B = S * T
    rows_per_w = B // _NW
    idx = token_ids.astype(jnp.int32).reshape(_NW, rows_per_w // _IPG, _IPG)

    w4 = W.reshape(W.shape[0] // 16, 2, 8, D)
    w_rows = _pack(w4).reshape(W.shape[0], D)

    mesh = plsc.VectorSubcoreMesh(core_axis_name="c", subcore_axis_name="s")
    run = pl.kernel(
        _body,
        out_type=jax.ShapeDtypeStruct((B, D), jnp.float32),
        mesh=mesh,
        scratch_types=[
            pltpu.VMEM((rows_per_w // _IPG, _IPG), jnp.int32),
            pltpu.VMEM((_RING, _CHUNK, D), jnp.float32),
            pltpu.SemaphoreType.DMA((_RING,)),
            pltpu.SemaphoreType.DMA((_RING,)),
        ],
        compiler_params=pltpu.CompilerParams(use_tc_tiling_on_sc=False),
    )
    out = run(idx, w_rows)
    return out.reshape(S, T, D)

# --- scband reference (transcript-rebuilt; emitter-appended) ---
"""Pipeline reference for scband-embedding-75385265979851 (READ-ONLY COPY).

The authoritative reference and input builder live on the scoring server;
editing this copy changes nothing except your own understanding.
"""

import jax, jax.numpy as jnp
import numpy as np

NUM_EMBEDDINGS = 1000000
EMBEDDING_DIM = 64


def setup_inputs(seed: int = 0) -> dict:
    key = jax.random.key(seed)
    k_idx, k_w = jax.random.split(key)
    token_ids = jax.random.randint(k_idx, (16384, 26), 0, NUM_EMBEDDINGS, dtype=jnp.int64 if jax.config.jax_enable_x64 else jnp.int32)
    std = 1.0 / np.sqrt(EMBEDDING_DIM)
    W = jax.random.truncated_normal(k_w, -2.0, 2.0, (NUM_EMBEDDINGS, EMBEDDING_DIM), dtype=jnp.float32) * std
    return {"token_ids": token_ids, "W": W}


def reference(token_ids, W):
    token_ids = token_ids.astype(jnp.int32)
    return jnp.take(W, token_ids, axis=0)

if __name__ == "__main__":
    import jax
    _d = setup_inputs()
    print(jax.jit(kernel)(*tuple(_d.values())))

</pallas_src>

<mosaic_0001>
#map = affine_map<(d0, d1) -> (0, 0, 0)>
#map1 = affine_map<(d0, d1) -> (0, 0)>
module attributes {stable_mosaic.version = 14 : i64} {
  func.func @_body(%arg0: i32, %arg1: i32, %arg2: memref<32x104x128xi32, #tpu.memory_space<hbm>>, %arg3: memref<1000000x64xf32, #tpu.memory_space<hbm>>, %arg4: memref<425984x64xf32, #tpu.memory_space<hbm>>, %arg5: memref<104x128xi32, #tpu.memory_space<vmem>>, %arg6: memref<4x256x64xf32, #tpu.memory_space<vmem>>, %arg7: memref<4x!tpu.dma_semaphore, #tpu.memory_space<semaphore_mem>>, %arg8: memref<4x!tpu.dma_semaphore, #tpu.memory_space<semaphore_mem>>) attributes {dimension_semantics = [#tpu.dimension_semantics<core_parallel>, #tpu.dimension_semantics<subcore_parallel>], iteration_bounds = array<i64: 2, 16>, scalar_prefetch = 0 : i64, scratch_operands = 4 : i64, tpu.core_type = #tpu.core_type<sc_vector_subcore>, window_params = [{transform_indices = #map}, {transform_indices = #map1}, {transform_indices = #map1}]} {
    %mul3A = arith.constant 2 : i32
    %mul3A_0 = arith.muli %arg1, %mul3A : i32
    %add3A = arith.addi %mul3A_0, %arg0 : i32
    "tpu.region"() ({
      %run_scoped3A_219 = tpu.sem_alloc : memref<!tpu.dma_semaphore, #tpu.memory_space<semaphore_mem>>
      %dma_start3A_220 = arith.constant 0 : i32
      %dma_start3A_221 = arith.constant 0 : i32
      %dma_start3A_222 = tpu.memref_slice %arg2[%add3A, %dma_start3A_220, %dma_start3A_221] : memref<32x104x128xi32, #tpu.memory_space<hbm>> -> memref<1x104x128xi32, #tpu.memory_space<hbm>>
      %dma_start3A_223 = tpu.memref_squeeze %dma_start3A_222 : memref<1x104x128xi32, #tpu.memory_space<hbm>> -> memref<104x128xi32, #tpu.memory_space<hbm>>
      %dma_start3A_224 = arith.constant 0 : i32
      %dma_start3A_225 = arith.constant 0 : i32
      %dma_start3A_226 = tpu.memref_slice %arg2[%add3A, %dma_start3A_224, %dma_start3A_225] : memref<32x104x128xi32, #tpu.memory_space<hbm>> -> memref<1x104x128xi32, #tpu.memory_space<hbm>>
      %dma_start3A_227 = tpu.memref_squeeze %dma_start3A_226 : memref<1x104x128xi32, #tpu.memory_space<hbm>> -> memref<104x128xi32, #tpu.memory_space<hbm>>
      tpu.enqueue_dma source(%dma_start3A_227 : memref<104x128xi32, #tpu.memory_space<hbm>>) target(%arg5 : memref<104x128xi32, #tpu.memory_space<vmem>>) target_semaphore(%run_scoped3A_219 : memref<!tpu.dma_semaphore, #tpu.memory_space<semaphore_mem>>)
      %dma_wait3A_228 = arith.constant 0 : i32
      %dma_wait3A_229 = arith.constant 0 : i32
      %dma_wait3A_230 = tpu.memref_slice %arg2[%add3A, %dma_wait3A_228, %dma_wait3A_229] : memref<32x104x128xi32, #tpu.memory_space<hbm>> -> memref<1x104x128xi32, #tpu.memory_space<hbm>>
      %dma_wait3A_231 = tpu.memref_squeeze %dma_wait3A_230 : memref<1x104x128xi32, #tpu.memory_space<hbm>> -> memref<104x128xi32, #tpu.memory_space<hbm>>
      %dma_wait3A_232 = arith.constant 0 : i32
      %dma_wait3A_233 = arith.constant 0 : i32
      %dma_wait3A_234 = tpu.memref_slice %arg2[%add3A, %dma_wait3A_232, %dma_wait3A_233] : memref<32x104x128xi32, #tpu.memory_space<hbm>> -> memref<1x104x128xi32, #tpu.memory_space<hbm>>
      %dma_wait3A_235 = tpu.memref_squeeze %dma_wait3A_234 : memref<1x104x128xi32, #tpu.memory_space<hbm>> -> memref<104x128xi32, #tpu.memory_space<hbm>>
      tpu.wait_dma2 semaphore(%run_scoped3A_219 : memref<!tpu.dma_semaphore, #tpu.memory_space<semaphore_mem>>) src(%dma_wait3A_235 : memref<104x128xi32, #tpu.memory_space<hbm>>) dst(%arg5 : memref<104x128xi32, #tpu.memory_space<vmem>>)
      tpu.yield
    }) : () -> ()
    %mul3A_1 = arith.constant 52 : i32
    %mul3A_2 = arith.muli %add3A, %mul3A_1 : i32
    %dma_start3A = arith.constant 0 : i32
    %dma_start3A_3 = arith.constant 0 : i32
    %dma_start3A_4 = arith.constant 0 : i32
    %dma_start3A_5 = arith.constant 0 : i32
    %dma_start3A_6 = arith.constant 0 : i32
    %dma_start3A_7 = tpu.memref_slice %arg6[%dma_start3A_3, %dma_start3A_5, %dma_start3A_6] : memref<4x256x64xf32, #tpu.memory_space<vmem>> -> memref<1x128x64xf32, #tpu.memory_space<vmem>>
    %dma_start3A_8 = tpu.memref_squeeze %dma_start3A_7 : memref<1x128x64xf32, #tpu.memory_space<vmem>> -> memref<128x64xf32, #tpu.memory_space<vmem>>
    %dma_start3A_9 = arith.constant 0 : i32
    %dma_start3A_10 = tpu.memref_slice %arg5[%dma_start3A, %dma_start3A_9] : memref<104x128xi32, #tpu.memory_space<vmem>> -> memref<1x128xi32, #tpu.memory_space<vmem>>
    %dma_start3A_11 = tpu.memref_squeeze %dma_start3A_10 : memref<1x128xi32, #tpu.memory_space<vmem>> -> memref<128xi32, #tpu.memory_space<vmem>>
    %dma_start3A_12 = arith.constant 0 : i32
    %dma_start3A_13 = arith.constant 0 : i32
    %dma_start3A_14 = tpu.memref_slice %arg3[%dma_start3A_12, %dma_start3A_13] : memref<1000000x64xf32, #tpu.memory_space<hbm>> -> memref<1000000x64xf32, #tpu.memory_space<hbm>>
    %dma_start3A_15 = tpu.memref_slice %arg7[%dma_start3A_4] : memref<4x!tpu.dma_semaphore, #tpu.memory_space<semaphore_mem>> -> memref<1x!tpu.dma_semaphore, #tpu.memory_space<semaphore_mem>>
    %dma_start3A_16 = tpu.memref_squeeze %dma_start3A_15 : memref<1x!tpu.dma_semaphore, #tpu.memory_space<semaphore_mem>> -> memref<!tpu.dma_semaphore, #tpu.memory_space<semaphore_mem>>
    tpu.enqueue_indirect_dma source(%dma_start3A_14 : memref<1000000x64xf32, #tpu.memory_space<hbm>>) target(%dma_start3A_8 : memref<128x64xf32, #tpu.memory_space<vmem>>) offsets(%dma_start3A_11 : memref<128xi32, #tpu.memory_space<vmem>>) semaphore(%dma_start3A_16 : memref<!tpu.dma_semaphore, #tpu.memory_space<semaphore_mem>>)
    %dma_start3A_17 = arith.constant 1 : i32
    %dma_start3A_18 = arith.constant 0 : i32
    %dma_start3A_19 = arith.constant 0 : i32
    %dma_start3A_20 = arith.constant 128 : i32
    %dma_start3A_21 = arith.constant 0 : i32
    %dma_start3A_22 = tpu.memref_slice %arg6[%dma_start3A_18, %dma_start3A_20, %dma_start3A_21] : memref<4x256x64xf32, #tpu.memory_space<vmem>> -> memref<1x128x64xf32, #tpu.memory_space<vmem>>
    %dma_start3A_23 = tpu.memref_squeeze %dma_start3A_22 : memref<1x128x64xf32, #tpu.memory_space<vmem>> -> memref<128x64xf32, #tpu.memory_space<vmem>>
    %dma_start3A_24 = arith.constant 0 : i32
    %dma_start3A_25 = tpu.memref_slice %arg5[%dma_start3A_17, %dma_start3A_24] : memref<104x128xi32, #tpu.memory_space<vmem>> -> memref<1x128xi32, #tpu.memory_space<vmem>>
    %dma_start3A_26 = tpu.memref_squeeze %dma_start3A_25 : memref<1x128xi32, #tpu.memory_space<vmem>> -> memref<128xi32, #tpu.memory_space<vmem>>
    %dma_start3A_27 = arith.constant 0 : i32
    %dma_start3A_28 = arith.constant 0 : i32
    %dma_start3A_29 = tpu.memref_slice %arg3[%dma_start3A_27, %dma_start3A_28] : memref<1000000x64xf32, #tpu.memory_space<hbm>> -> memref<1000000x64xf32, #tpu.memory_space<hbm>>
    %dma_start3A_30 = tpu.memref_slice %arg7[%dma_start3A_19] : memref<4x!tpu.dma_semaphore, #tpu.memory_space<semaphore_mem>> -> memref<1x!tpu.dma_semaphore, #tpu.memory_space<semaphore_mem>>
    %dma_start3A_31 = tpu.memref_squeeze %dma_start3A_30 : memref<1x!tpu.dma_semaphore, #tpu.memory_space<semaphore_mem>> -> memref<!tpu.dma_semaphore, #tpu.memory_space<semaphore_mem>>
    tpu.enqueue_indirect_dma source(%dma_start3A_29 : memref<1000000x64xf32, #tpu.memory_space<hbm>>) target(%dma_start3A_23 : memref<128x64xf32, #tpu.memory_space<vmem>>) offsets(%dma_start3A_26 : memref<128xi32, #tpu.memory_space<vmem>>) semaphore(%dma_start3A_31 : memref<!tpu.dma_semaphore, #tpu.memory_space<semaphore_mem>>)
    %dma_start3A_32 = arith.constant 2 : i32
    %dma_start3A_33 = arith.constant 1 : i32
    %dma_start3A_34 = arith.constant 1 : i32
    %dma_start3A_35 = arith.constant 0 : i32
    %dma_start3A_36 = arith.constant 0 : i32
    %dma_start3A_37 = tpu.memref_slice %arg6[%dma_start3A_33, %dma_start3A_35, %dma_start3A_36] : memref<4x256x64xf32, #tpu.memory_space<vmem>> -> memref<1x128x64xf32, #tpu.memory_space<vmem>>
    %dma_start3A_38 = tpu.memref_squeeze %dma_start3A_37 : memref<1x128x64xf32, #tpu.memory_space<vmem>> -> memref<128x64xf32, #tpu.memory_space<vmem>>
    %dma_start3A_39 = arith.constant 0 : i32
    %dma_start3A_40 = tpu.memref_slice %arg5[%dma_start3A_32, %dma_start3A_39] : memref<104x128xi32, #tpu.memory_space<vmem>> -> memref<1x128xi32, #tpu.memory_space<vmem>>
    %dma_start3A_41 = tpu.memref_squeeze %dma_start3A_40 : memref<1x128xi32, #tpu.memory_space<vmem>> -> memref<128xi32, #tpu.memory_space<vmem>>
    %dma_start3A_42 = arith.constant 0 : i32
    %dma_start3A_43 = arith.constant 0 : i32
    %dma_start3A_44 = tpu.memref_slice %arg3[%dma_start3A_42, %dma_start3A_43] : memref<1000000x64xf32, #tpu.memory_space<hbm>> -> memref<1000000x64xf32, #tpu.memory_space<hbm>>
    %dma_start3A_45 = tpu.memref_slice %arg7[%dma_start3A_34] : memref<4x!tpu.dma_semaphore, #tpu.memory_space<semaphore_mem>> -> memref<1x!tpu.dma_semaphore, #tpu.memory_space<semaphore_mem>>
    %dma_start3A_46 = tpu.memref_squeeze %dma_start3A_45 : memref<1x!tpu.dma_semaphore, #tpu.memory_space<semaphore_mem>> -> memref<!tpu.dma_semaphore, #tpu.memory_space<semaphore_mem>>
    tpu.enqueue_indirect_dma source(%dma_start3A_44 : memref<1000000x64xf32, #tpu.memory_space<hbm>>) target(%dma_start3A_38 : memref<128x64xf32, #tpu.memory_space<vmem>>) offsets(%dma_start3A_41 : memref<128xi32, #tpu.memory_space<vmem>>) semaphore(%dma_start3A_46 : memref<!tpu.dma_semaphore, #tpu.memory_space<semaphore_mem>>)
    %dma_start3A_47 = arith.constant 3 : i32
    %dma_start3A_48 = arith.constant 1 : i32
    %dma_start3A_49 = arith.constant 1 : i32
    %dma_start3A_50 = arith.constant 128 : i32
    %dma_start3A_51 = arith.constant 0 : i32
    %dma_start3A_52 = tpu.memref_slice %arg6[%dma_start3A_48, %dma_start3A_50, %dma_start3A_51] : memref<4x256x64xf32, #tpu.memory_space<vmem>> -> memref<1x128x64xf32, #tpu.memory_space<vmem>>
    %dma_start3A_53 = tpu.memref_squeeze %dma_start3A_52 : memref<1x128x64xf32, #tpu.memory_space<vmem>> -> memref<128x64xf32, #tpu.memory_space<vmem>>
    %dma_start3A_54 = arith.constant 0 : i32
    %dma_start3A_55 = tpu.memref_slice %arg5[%dma_start3A_47, %dma_start3A_54] : memref<104x128xi32, #tpu.memory_space<vmem>> -> memref<1x128xi32, #tpu.memory_space<vmem>>
    %dma_start3A_56 = tpu.memref_squeeze %dma_start3A_55 : memref<1x128xi32, #tpu.memory_space<vmem>> -> memref<128xi32, #tpu.memory_space<vmem>>
    %dma_start3A_57 = arith.constant 0 : i32
    %dma_start3A_58 = arith.constant 0 : i32
    %dma_start3A_59 = tpu.memref_slice %arg3[%dma_start3A_57, %dma_start3A_58] : memref<1000000x64xf32, #tpu.memory_space<hbm>> -> memref<1000000x64xf32, #tpu.memory_space<hbm>>
    %dma_start3A_60 = tpu.memref_slice %arg7[%dma_start3A_49] : memref<4x!tpu.dma_semaphore, #tpu.memory_space<semaphore_mem>> -> memref<1x!tpu.dma_semaphore, #tpu.memory_space<semaphore_mem>>
    %dma_start3A_61 = tpu.memref_squeeze %dma_start3A_60 : memref<1x!tpu.dma_semaphore, #tpu.memory_space<semaphore_mem>> -> memref<!tpu.dma_semaphore, #tpu.memory_space<semaphore_mem>>
    tpu.enqueue_indirect_dma source(%dma_start3A_59 : memref<1000000x64xf32, #tpu.memory_space<hbm>>) target(%dma_start3A_53 : memref<128x64xf32, #tpu.memory_space<vmem>>) offsets(%dma_start3A_56 : memref<128xi32, #tpu.memory_space<vmem>>) semaphore(%dma_start3A_61 : memref<!tpu.dma_semaphore, #tpu.memory_space<semaphore_mem>>)
    %dma_start3A_62 = arith.constant 4 : i32
    %dma_start3A_63 = arith.constant 2 : i32
    %dma_start3A_64 = arith.constant 2 : i32
    %dma_start3A_65 = arith.constant 0 : i32
    %dma_start3A_66 = arith.constant 0 : i32
    %dma_start3A_67 = tpu.memref_slice %arg6[%dma_start3A_63, %dma_start3A_65, %dma_start3A_66] : memref<4x256x64xf32, #tpu.memory_space<vmem>> -> memref<1x128x64xf32, #tpu.memory_space<vmem>>
    %dma_start3A_68 = tpu.memref_squeeze %dma_start3A_67 : memref<1x128x64xf32, #tpu.memory_space<vmem>> -> memref<128x64xf32, #tpu.memory_space<vmem>>
    %dma_start3A_69 = arith.constant 0 : i32
    %dma_start3A_70 = tpu.memref_slice %arg5[%dma_start3A_62, %dma_start3A_69] : memref<104x128xi32, #tpu.memory_space<vmem>> -> memref<1x128xi32, #tpu.memory_space<vmem>>
    %dma_start3A_71 = tpu.memref_squeeze %dma_start3A_70 : memref<1x128xi32, #tpu.memory_space<vmem>> -> memref<128xi32, #tpu.memory_space<vmem>>
    %dma_start3A_72 = arith.constant 0 : i32
    %dma_start3A_73 = arith.constant 0 : i32
    %dma_start3A_74 = tpu.memref_slice %arg3[%dma_start3A_72, %dma_start3A_73] : memref<1000000x64xf32, #tpu.memory_space<hbm>> -> memref<1000000x64xf32, #tpu.memory_space<hbm>>
    %dma_start3A_75 = tpu.memref_slice %arg7[%dma_start3A_64] : memref<4x!tpu.dma_semaphore, #tpu.memory_space<semaphore_mem>> -> memref<1x!tpu.dma_semaphore, #tpu.memory_space<semaphore_mem>>
    %dma_start3A_76 = tpu.memref_squeeze %dma_start3A_75 : memref<1x!tpu.dma_semaphore, #tpu.memory_space<semaphore_mem>> -> memref<!tpu.dma_semaphore, #tpu.memory_space<semaphore_mem>>
    tpu.enqueue_indirect_dma source(%dma_start3A_74 : memref<1000000x64xf32, #tpu.memory_space<hbm>>) target(%dma_start3A_68 : memref<128x64xf32, #tpu.memory_space<vmem>>) offsets(%dma_start3A_71 : memref<128xi32, #tpu.memory_space<vmem>>) semaphore(%dma_start3A_76 : memref<!tpu.dma_semaphore, #tpu.memory_space<semaphore_mem>>)
    %dma_start3A_77 = arith.constant 5 : i32
    %dma_start3A_78 = arith.constant 2 : i32
    %dma_start3A_79 = arith.constant 2 : i32
    %dma_start3A_80 = arith.constant 128 : i32
    %dma_start3A_81 = arith.constant 0 : i32
    %dma_start3A_82 = tpu.memref_slice %arg6[%dma_start3A_78, %dma_start3A_80, %dma_start3A_81] : memref<4x256x64xf32, #tpu.memory_space<vmem>> -> memref<1x128x64xf32, #tpu.memory_space<vmem>>
    %dma_start3A_83 = tpu.memref_squeeze %dma_start3A_82 : memref<1x128x64xf32, #tpu.memory_space<vmem>> -> memref<128x64xf32, #tpu.memory_space<vmem>>
    %dma_start3A_84 = arith.constant 0 : i32
    %dma_start3A_85 = tpu.memref_slice %arg5[%dma_start3A_77, %dma_start3A_84] : memref<104x128xi32, #tpu.memory_space<vmem>> -> memref<1x128xi32, #tpu.memory_space<vmem>>
    %dma_start3A_86 = tpu.memref_squeeze %dma_start3A_85 : memref<1x128xi32, #tpu.memory_space<vmem>> -> memref<128xi32, #tpu.memory_space<vmem>>
    %dma_start3A_87 = arith.constant 0 : i32
    %dma_start3A_88 = arith.constant 0 : i32
    %dma_start3A_89 = tpu.memref_slice %arg3[%dma_start3A_87, %dma_start3A_88] : memref<1000000x64xf32, #tpu.memory_space<hbm>> -> memref<1000000x64xf32, #tpu.memory_space<hbm>>
    %dma_start3A_90 = tpu.memref_slice %arg7[%dma_start3A_79] : memref<4x!tpu.dma_semaphore, #tpu.memory_space<semaphore_mem>> -> memref<1x!tpu.dma_semaphore, #tpu.memory_space<semaphore_mem>>
    %dma_start3A_91 = tpu.memref_squeeze %dma_start3A_90 : memref<1x!tpu.dma_semaphore, #tpu.memory_space<semaphore_mem>> -> memref<!tpu.dma_semaphore, #tpu.memory_space<semaphore_mem>>
    tpu.enqueue_indirect_dma source(%dma_start3A_89 : memref<1000000x64xf32, #tpu.memory_space<hbm>>) target(%dma_start3A_83 : memref<128x64xf32, #tpu.memory_space<vmem>>) offsets(%dma_start3A_86 : memref<128xi32, #tpu.memory_space<vmem>>) semaphore(%dma_start3A_91 : memref<!tpu.dma_semaphore, #tpu.memory_space<semaphore_mem>>)
    %dma_start3A_92 = arith.constant 6 : i32
    %dma_start3A_93 = arith.constant 3 : i32
    %dma_start3A_94 = arith.constant 3 : i32
    %dma_start3A_95 = arith.constant 0 : i32
    %dma_start3A_96 = arith.constant 0 : i32
    %dma_start3A_97 = tpu.memref_slice %arg6[%dma_start3A_93, %dma_start3A_95, %dma_start3A_96] : memref<4x256x64xf32, #tpu.memory_space<vmem>> -> memref<1x128x64xf32, #tpu.memory_space<vmem>>
    %dma_start3A_98 = tpu.memref_squeeze %dma_start3A_97 : memref<1x128x64xf32, #tpu.memory_space<vmem>> -> memref<128x64xf32, #tpu.memory_space<vmem>>
    %dma_start3A_99 = arith.constant 0 : i32
    %dma_start3A_100 = tpu.memref_slice %arg5[%dma_start3A_92, %dma_start3A_99] : memref<104x128xi32, #tpu.memory_space<vmem>> -> memref<1x128xi32, #tpu.memory_space<vmem>>
    %dma_start3A_101 = tpu.memref_squeeze %dma_start3A_100 : memref<1x128xi32, #tpu.memory_space<vmem>> -> memref<128xi32, #tpu.memory_space<vmem>>
    %dma_start3A_102 = arith.constant 0 : i32
    %dma_start3A_103 = arith.constant 0 : i32
    %dma_start3A_104 = tpu.memref_slice %arg3[%dma_start3A_102, %dma_start3A_103] : memref<1000000x64xf32, #tpu.memory_space<hbm>> -> memref<1000000x64xf32, #tpu.memory_space<hbm>>
    %dma_start3A_105 = tpu.memref_slice %arg7[%dma_start3A_94] : memref<4x!tpu.dma_semaphore, #tpu.memory_space<semaphore_mem>> -> memref<1x!tpu.dma_semaphore, #tpu.memory_space<semaphore_mem>>
    %dma_start3A_106 = tpu.memref_squeeze %dma_start3A_105 : memref<1x!tpu.dma_semaphore, #tpu.memory_space<semaphore_mem>> -> memref<!tpu.dma_semaphore, #tpu.memory_space<semaphore_mem>>
    tpu.enqueue_indirect_dma source(%dma_start3A_104 : memref<1000000x64xf32, #tpu.memory_space<hbm>>) target(%dma_start3A_98 : memref<128x64xf32, #tpu.memory_space<vmem>>) offsets(%dma_start3A_101 : memref<128xi32, #tpu.memory_space<vmem>>) semaphore(%dma_start3A_106 : memref<!tpu.dma_semaphore, #tpu.memory_space<semaphore_mem>>)
    %dma_start3A_107 = arith.constant 7 : i32
    %dma_start3A_108 = arith.constant 3 : i32
    %dma_start3A_109 = arith.constant 3 : i32
    %dma_start3A_110 = arith.constant 128 : i32
    %dma_start3A_111 = arith.constant 0 : i32
    %dma_start3A_112 = tpu.memref_slice %arg6[%dma_start3A_108, %dma_start3A_110, %dma_start3A_111] : memref<4x256x64xf32, #tpu.memory_space<vmem>> -> memref<1x128x64xf32, #tpu.memory_space<vmem>>
    %dma_start3A_113 = tpu.memref_squeeze %dma_start3A_112 : memref<1x128x64xf32, #tpu.memory_space<vmem>> -> memref<128x64xf32, #tpu.memory_space<vmem>>
    %dma_start3A_114 = arith.constant 0 : i32
    %dma_start3A_115 = tpu.memref_slice %arg5[%dma_start3A_107, %dma_start3A_114] : memref<104x128xi32, #tpu.memory_space<vmem>> -> memref<1x128xi32, #tpu.memory_space<vmem>>
    %dma_start3A_116 = tpu.memref_squeeze %dma_start3A_115 : memref<1x128xi32, #tpu.memory_space<vmem>> -> memref<128xi32, #tpu.memory_space<vmem>>
    %dma_start3A_117 = arith.constant 0 : i32
    %dma_start3A_118 = arith.constant 0 : i32
    %dma_start3A_119 = tpu.memref_slice %arg3[%dma_start3A_117, %dma_start3A_118] : memref<1000000x64xf32, #tpu.memory_space<hbm>> -> memref<1000000x64xf32, #tpu.memory_space<hbm>>
    %dma_start3A_120 = tpu.memref_slice %arg7[%dma_start3A_109] : memref<4x!tpu.dma_semaphore, #tpu.memory_space<semaphore_mem>> -> memref<1x!tpu.dma_semaphore, #tpu.memory_space<semaphore_mem>>
    %dma_start3A_121 = tpu.memref_squeeze %dma_start3A_120 : memref<1x!tpu.dma_semaphore, #tpu.memory_space<semaphore_mem>> -> memref<!tpu.dma_semaphore, #tpu.memory_space<semaphore_mem>>
    tpu.enqueue_indirect_dma source(%dma_start3A_119 : memref<1000000x64xf32, #tpu.memory_space<hbm>>) target(%dma_start3A_113 : memref<128x64xf32, #tpu.memory_space<vmem>>) offsets(%dma_start3A_116 : memref<128xi32, #tpu.memory_space<vmem>>) semaphore(%dma_start3A_121 : memref<!tpu.dma_semaphore, #tpu.memory_space<semaphore_mem>>)
    %scan3A = arith.constant 0 : i32
    %scan3A_122 = arith.constant 12 : i32
    %scan3A_123 = arith.addi %scan3A, %scan3A_122 : i32
    %scan3A_124 = arith.constant 1 : i32
    scf.for %scan3A_219 = %scan3A to %scan3A_123 step %scan3A_124  : i32 {
      %mul3A_220 = arith.constant 4 : i32
      %mul3A_221 = arith.muli %scan3A_219, %mul3A_220 : i32
      %add3A_222 = arith.constant 0 : i32
      %add3A_223 = arith.addi %add3A_222, %mul3A_221 : i32
      %add3A_224 = arith.constant 0 : i32
      %add3A_225 = arith.addi %add3A_223, %add3A_224 : i32
      %dma_wait3A_226 = arith.constant 0 : i32
      %dma_wait3A_227 = arith.constant 0 : i32
      %dma_wait3A_228 = arith.constant 0 : i32
      %dma_wait3A_229 = arith.constant 0 : i32
      %dma_wait3A_230 = tpu.memref_slice %arg6[%dma_wait3A_226, %dma_wait3A_228, %dma_wait3A_229] : memref<4x256x64xf32, #tpu.memory_space<vmem>> -> memref<1x256x64xf32, #tpu.memory_space<vmem>>
      %dma_wait3A_231 = tpu.memref_squeeze %dma_wait3A_230 : memref<1x256x64xf32, #tpu.memory_space<vmem>> -> memref<256x64xf32, #tpu.memory_space<vmem>>
      %dma_wait3A_232 = arith.constant 0 : i32
      %dma_wait3A_233 = arith.constant 0 : i32
      %dma_wait3A_234 = tpu.memref_slice %arg4[%dma_wait3A_232, %dma_wait3A_233] : memref<425984x64xf32, #tpu.memory_space<hbm>> -> memref<256x64xf32, #tpu.memory_space<hbm>>
      %dma_wait3A_235 = tpu.memref_slice %arg7[%dma_wait3A_227] : memref<4x!tpu.dma_semaphore, #tpu.memory_space<semaphore_mem>> -> memref<1x!tpu.dma_semaphore, #tpu.memory_space<semaphore_mem>>
      %dma_wait3A_236 = tpu.memref_squeeze %dma_wait3A_235 : memref<1x!tpu.dma_semaphore, #tpu.memory_space<semaphore_mem>> -> memref<!tpu.dma_semaphore, #tpu.memory_space<semaphore_mem>>
      %dma_wait3A_237 = arith.constant 0 : i32
      %dma_wait3A_238 = arith.constant 0 : i32
      %dma_wait3A_239 = tpu.memref_slice %arg6[%dma_wait3A_226, %dma_wait3A_237, %dma_wait3A_238] : memref<4x256x64xf32, #tpu.memory_space<vmem>> -> memref<1x256x64xf32, #tpu.memory_space<vmem>>
      %dma_wait3A_240 = tpu.memref_squeeze %dma_wait3A_239 : memref<1x256x64xf32, #tpu.memory_space<vmem>> -> memref<256x64xf32, #tpu.memory_space<vmem>>
      %dma_wait3A_241 = arith.constant 0 : i32
      %dma_wait3A_242 = arith.constant 0 : i32
      %dma_wait3A_243 = tpu.memref_slice %arg4[%dma_wait3A_241, %dma_wait3A_242] : memref<425984x64xf32, #tpu.memory_space<hbm>> -> memref<256x64xf32, #tpu.memory_space<hbm>>
      tpu.wait_dma2 semaphore(%dma_wait3A_236 : memref<!tpu.dma_semaphore, #tpu.memory_space<semaphore_mem>>) src(%dma_wait3A_243 : memref<256x64xf32, #tpu.memory_space<hbm>>) dst(%dma_wait3A_240 : memref<256x64xf32, #tpu.memory_space<vmem>>)
      %add3A_244 = arith.addi %mul3A_2, %add3A_225 : i32
      %mul3A_245 = arith.constant 256 : i32
      %mul3A_246 = arith.muli %add3A_244, %mul3A_245 : i32
      %multiple_of3A_247 = tpu.assume_multiple %mul3A_246, 256 : i32
      %dma_start3A_248 = arith.constant 0 : i32
      %dma_start3A_249 = arith.constant 0 : i32
      %dma_start3A_250 = arith.constant 0 : i32
      %dma_start3A_251 = arith.constant 0 : i32
      %dma_start3A_252 = tpu.memref_slice %arg6[%dma_start3A_248, %dma_start3A_250, %dma_start3A_251] : memref<4x256x64xf32, #tpu.memory_space<vmem>> -> memref<1x256x64xf32, #tpu.memory_space<vmem>>
      %dma_start3A_253 = tpu.memref_squeeze %dma_start3A_252 : memref<1x256x64xf32, #tpu.memory_space<vmem>> -> memref<256x64xf32, #tpu.memory_space<vmem>>
      %dma_start3A_254 = arith.constant 0 : i32
      %dma_start3A_255 = tpu.memref_slice %arg4[%multiple_of3A_247, %dma_start3A_254] : memref<425984x64xf32, #tpu.memory_space<hbm>> -> memref<256x64xf32, #tpu.memory_space<hbm>>
      %dma_start3A_256 = tpu.memref_slice %arg8[%dma_start3A_249] : memref<4x!tpu.dma_semaphore, #tpu.memory_space<semaphore_mem>> -> memref<1x!tpu.dma_semaphore, #tpu.memory_space<semaphore_mem>>
      %dma_start3A_257 = tpu.memref_squeeze %dma_start3A_256 : memref<1x!tpu.dma_semaphore, #tpu.memory_space<semaphore_mem>> -> memref<!tpu.dma_semaphore, #tpu.memory_space<semaphore_mem>>
      %dma_start3A_258 = arith.constant 0 : i32
      %dma_start3A_259 = tpu.memref_slice %arg4[%multiple_of3A_247, %dma_start3A_258] : memref<425984x64xf32, #tpu.memory_space<hbm>> -> memref<256x64xf32, #tpu.memory_space<hbm>>
      %dma_start3A_260 = arith.constant 0 : i32
      %dma_start3A_261 = arith.constant 0 : i32
      %dma_start3A_262 = tpu.memref_slice %arg6[%dma_start3A_248, %dma_start3A_260, %dma_start3A_261] : memref<4x256x64xf32, #tpu.memory_space<vmem>> -> memref<1x256x64xf32, #tpu.memory_space<vmem>>
      %dma_start3A_263 = tpu.memref_squeeze %dma_start3A_262 : memref<1x256x64xf32, #tpu.memory_space<vmem>> -> memref<256x64xf32, #tpu.memory_space<vmem>>
      tpu.enqueue_dma source(%dma_start3A_263 : memref<256x64xf32, #tpu.memory_space<vmem>>) target(%dma_start3A_259 : memref<256x64xf32, #tpu.memory_space<hbm>>) target_semaphore(%dma_start3A_257 : memref<!tpu.dma_semaphore, #tpu.memory_space<semaphore_mem>>)
      %dma_wait3A_264 = arith.constant 0 : i32
      %dma_wait3A_265 = arith.constant 0 : i32
      %dma_wait3A_266 = arith.constant 0 : i32
      %dma_wait3A_267 = arith.constant 0 : i32
      %dma_wait3A_268 = tpu.memref_slice %arg6[%dma_wait3A_264, %dma_wait3A_266, %dma_wait3A_267] : memref<4x256x64xf32, #tpu.memory_space<vmem>> -> memref<1x256x64xf32, #tpu.memory_space<vmem>>
      %dma_wait3A_269 = tpu.memref_squeeze %dma_wait3A_268 : memref<1x256x64xf32, #tpu.memory_space<vmem>> -> memref<256x64xf32, #tpu.memory_space<vmem>>
      %dma_wait3A_270 = arith.constant 0 : i32
      %dma_wait3A_271 = arith.constant 0 : i32
      %dma_wait3A_272 = tpu.memref_slice %arg4[%dma_wait3A_270, %dma_wait3A_271] : memref<425984x64xf32, #tpu.memory_space<hbm>> -> memref<256x64xf32, #tpu.memory_space<hbm>>
      %dma_wait3A_273 = tpu.memref_slice %arg8[%dma_wait3A_265] : memref<4x!tpu.dma_semaphore, #tpu.memory_space<semaphore_mem>> -> memref<1x!tpu.dma_semaphore, #tpu.memory_space<semaphore_mem>>
      %dma_wait3A_274 = tpu.memref_squeeze %dma_wait3A_273 : memref<1x!tpu.dma_semaphore, #tpu.memory_space<semaphore_mem>> -> memref<!tpu.dma_semaphore, #tpu.memory_space<semaphore_mem>>
      %dma_wait3A_275 = arith.constant 0 : i32
      %dma_wait3A_276 = arith.constant 0 : i32
      %dma_wait3A_277 = tpu.memref_slice %arg4[%dma_wait3A_275, %dma_wait3A_276] : memref<425984x64xf32, #tpu.memory_space<hbm>> -> memref<256x64xf32, #tpu.memory_space<hbm>>
      %dma_wait3A_278 = arith.constant 0 : i32
      %dma_wait3A_279 = arith.constant 0 : i32
      %dma_wait3A_280 = tpu.memref_slice %arg6[%dma_wait3A_264, %dma_wait3A_278, %dma_wait3A_279] : memref<4x256x64xf32, #tpu.memory_space<vmem>> -> memref<1x256x64xf32, #tpu.memory_space<vmem>>
      %dma_wait3A_281 = tpu.memref_squeeze %dma_wait3A_280 : memref<1x256x64xf32, #tpu.memory_space<vmem>> -> memref<256x64xf32, #tpu.memory_space<vmem>>
      tpu.wait_dma2 semaphore(%dma_wait3A_274 : memref<!tpu.dma_semaphore, #tpu.memory_space<semaphore_mem>>) src(%dma_wait3A_281 : memref<256x64xf32, #tpu.memory_space<vmem>>) dst(%dma_wait3A_277 : memref<256x64xf32, #tpu.memory_space<hbm>>)
      %add3A_282 = arith.constant 4 : i32
      %add3A_283 = arith.addi %add3A_225, %add3A_282 : i32
      %mul3A_284 = arith.constant 2 : i32
      %mul3A_285 = arith.muli %add3A_283, %mul3A_284 : i32
      %add3A_286 = arith.constant 0 : i32
      %add3A_287 = arith.addi %mul3A_285, %add3A_286 : i32
      %dma_start3A_288 = arith.constant 0 : i32
      %dma_start3A_289 = arith.constant 0 : i32
      %dma_start3A_290 = arith.constant 0 : i32
      %dma_start3A_291 = arith.constant 0 : i32
      %dma_start3A_292 = tpu.memref_slice %arg6[%dma_start3A_288, %dma_start3A_290, %dma_start3A_291] : memref<4x256x64xf32, #tpu.memory_space<vmem>> -> memref<1x128x64xf32, #tpu.memory_space<vmem>>
      %dma_start3A_293 = tpu.memref_squeeze %dma_start3A_292 : memref<1x128x64xf32, #tpu.memory_space<vmem>> -> memref<128x64xf32, #tpu.memory_space<vmem>>
      %dma_start3A_294 = arith.constant 0 : i32
      %dma_start3A_295 = tpu.memref_slice %arg5[%add3A_287, %dma_start3A_294] : memref<104x128xi32, #tpu.memory_space<vmem>> -> memref<1x128xi32, #tpu.memory_space<vmem>>
      %dma_start3A_296 = tpu.memref_squeeze %dma_start3A_295 : memref<1x128xi32, #tpu.memory_space<vmem>> -> memref<128xi32, #tpu.memory_space<vmem>>
      %dma_start3A_297 = arith.constant 0 : i32
      %dma_start3A_298 = arith.constant 0 : i32
      %dma_start3A_299 = tpu.memref_slice %arg3[%dma_start3A_297, %dma_start3A_298] : memref<1000000x64xf32, #tpu.memory_space<hbm>> -> memref<1000000x64xf32, #tpu.memory_space<hbm>>
      %dma_start3A_300 = tpu.memref_slice %arg7[%dma_start3A_289] : memref<4x!tpu.dma_semaphore, #tpu.memory_space<semaphore_mem>> -> memref<1x!tpu.dma_semaphore, #tpu.memory_space<semaphore_mem>>
      %dma_start3A_301 = tpu.memref_squeeze %dma_start3A_300 : memref<1x!tpu.dma_semaphore, #tpu.memory_space<semaphore_mem>> -> memref<!tpu.dma_semaphore, #tpu.memory_space<semaphore_mem>>
      tpu.enqueue_indirect_dma source(%dma_start3A_299 : memref<1000000x64xf32, #tpu.memory_space<hbm>>) target(%dma_start3A_293 : memref<128x64xf32, #tpu.memory_space<vmem>>) offsets(%dma_start3A_296 : memref<128xi32, #tpu.memory_space<vmem>>) semaphore(%dma_start3A_301 : memref<!tpu.dma_semaphore, #tpu.memory_space<semaphore_mem>>)
      %mul3A_302 = arith.constant 2 : i32
      %mul3A_303 = arith.muli %add3A_283, %mul3A_302 : i32
      %add3A_304 = arith.constant 1 : i32
      %add3A_305 = arith.addi %mul3A_303, %add3A_304 : i32
      %dma_start3A_306 = arith.constant 0 : i32
      %dma_start3A_307 = arith.constant 0 : i32
      %dma_start3A_308 = arith.constant 128 : i32
      %dma_start3A_309 = arith.constant 0 : i32
      %dma_start3A_310 = tpu.memref_slice %arg6[%dma_start3A_306, %dma_start3A_308, %dma_start3A_309] : memref<4x256x64xf32, #tpu.memory_space<vmem>> -> memref<1x128x64xf32, #tpu.memory_space<vmem>>
      %dma_start3A_311 = tpu.memref_squeeze %dma_start3A_310 : memref<1x128x64xf32, #tpu.memory_space<vmem>> -> memref<128x64xf32, #tpu.memory_space<vmem>>
      %dma_start3A_312 = arith.constant 0 : i32
      %dma_start3A_313 = tpu.memref_slice %arg5[%add3A_305, %dma_start3A_312] : memref<104x128xi32, #tpu.memory_space<vmem>> -> memref<1x128xi32, #tpu.memory_space<vmem>>
      %dma_start3A_314 = tpu.memref_squeeze %dma_start3A_313 : memref<1x128xi32, #tpu.memory_space<vmem>> -> memref<128xi32, #tpu.memory_space<vmem>>
      %dma_start3A_315 = arith.constant 0 : i32
      %dma_start3A_316 = arith.constant 0 : i32
      %dma_start3A_317 = tpu.memref_slice %arg3[%dma_start3A_315, %dma_start3A_316] : memref<1000000x64xf32, #tpu.memory_space<hbm>> -> memref<1000000x64xf32, #tpu.memory_space<hbm>>
      %dma_start3A_318 = tpu.memref_slice %arg7[%dma_start3A_307] : memref<4x!tpu.dma_semaphore, #tpu.memory_space<semaphore_mem>> -> memref<1x!tpu.dma_semaphore, #tpu.memory_space<semaphore_mem>>
      %dma_start3A_319 = tpu.memref_squeeze %dma_start3A_318 : memref<1x!tpu.dma_semaphore, #tpu.memory_space<semaphore_mem>> -> memref<!tpu.dma_semaphore, #tpu.memory_space<semaphore_mem>>
      tpu.enqueue_indirect_dma source(%dma_start3A_317 : memref<1000000x64xf32, #tpu.memory_space<hbm>>) target(%dma_start3A_311 : memref<128x64xf32, #tpu.memory_space<vmem>>) offsets(%dma_start3A_314 : memref<128xi32, #tpu.memory_space<vmem>>) semaphore(%dma_start3A_319 : memref<!tpu.dma_semaphore, #tpu.memory_space<semaphore_mem>>)
      %add3A_320 = arith.constant 1 : i32
      %add3A_321 = arith.addi %add3A_223, %add3A_320 : i32
      %dma_wait3A_322 = arith.constant 1 : i32
      %dma_wait3A_323 = arith.constant 1 : i32
      %dma_wait3A_324 = arith.constant 0 : i32
      %dma_wait3A_325 = arith.constant 0 : i32
      %dma_wait3A_326 = tpu.memref_slice %arg6[%dma_wait3A_322, %dma_wait3A_324, %dma_wait3A_325] : memref<4x256x64xf32, #tpu.memory_space<vmem>> -> memref<1x256x64xf32, #tpu.memory_space<vmem>>
      %dma_wait3A_327 = tpu.memref_squeeze %dma_wait3A_326 : memref<1x256x64xf32, #tpu.memory_space<vmem>> -> memref<256x64xf32, #tpu.memory_space<vmem>>
      %dma_wait3A_328 = arith.constant 0 : i32
      %dma_wait3A_329 = arith.constant 0 : i32
      %dma_wait3A_330 = tpu.memref_slice %arg4[%dma_wait3A_328, %dma_wait3A_329] : memref<425984x64xf32, #tpu.memory_space<hbm>> -> memref<256x64xf32, #tpu.memory_space<hbm>>
      %dma_wait3A_331 = tpu.memref_slice %arg7[%dma_wait3A_323] : memref<4x!tpu.dma_semaphore, #tpu.memory_space<semaphore_mem>> -> memref<1x!tpu.dma_semaphore, #tpu.memory_space<semaphore_mem>>
      %dma_wait3A_332 = tpu.memref_squeeze %dma_wait3A_331 : memref<1x!tpu.dma_semaphore, #tpu.memory_space<semaphore_mem>> -> memref<!tpu.dma_semaphore, #tpu.memory_space<semaphore_mem>>
      %dma_wait3A_333 = arith.constant 0 : i32
      %dma_wait3A_334 = arith.constant 0 : i32
      %dma_wait3A_335 = tpu.memref_slice %arg6[%dma_wait3A_322, %dma_wait3A_333, %dma_wait3A_334] : memref<4x256x64xf32, #tpu.memory_space<vmem>> -> memref<1x256x64xf32, #tpu.memory_space<vmem>>
      %dma_wait3A_336 = tpu.memref_squeeze %dma_wait3A_335 : memref<1x256x64xf32, #tpu.memory_space<vmem>> -> memref<256x64xf32, #tpu.memory_space<vmem>>
      %dma_wait3A_337 = arith.constant 0 : i32
      %dma_wait3A_338 = arith.constant 0 : i32
      %dma_wait3A_339 = tpu.memref_slice %arg4[%dma_wait3A_337, %dma_wait3A_338] : memref<425984x64xf32, #tpu.memory_space<hbm>> -> memref<256x64xf32, #tpu.memory_space<hbm>>
      tpu.wait_dma2 semaphore(%dma_wait3A_332 : memref<!tpu.dma_semaphore, #tpu.memory_space<semaphore_mem>>) src(%dma_wait3A_339 : memref<256x64xf32, #tpu.memory_space<hbm>>) dst(%dma_wait3A_336 : memref<256x64xf32, #tpu.memory_space<vmem>>)
      %add3A_340 = arith.addi %mul3A_2, %add3A_321 : i32
      %mul3A_341 = arith.constant 256 : i32
      %mul3A_342 = arith.muli %add3A_340, %mul3A_341 : i32
      %multiple_of3A_343 = tpu.assume_multiple %mul3A_342, 256 : i32
      %dma_start3A_344 = arith.constant 1 : i32
      %dma_start3A_345 = arith.constant 1 : i32
      %dma_start3A_346 = arith.constant 0 : i32
      %dma_start3A_347 = arith.constant 0 : i32
      %dma_start3A_348 = tpu.memref_slice %arg6[%dma_start3A_344, %dma_start3A_346, %dma_start3A_347] : memref<4x256x64xf32, #tpu.memory_space<vmem>> -> memref<1x256x64xf32, #tpu.memory_space<vmem>>
      %dma_start3A_349 = tpu.memref_squeeze %dma_start3A_348 : memref<1x256x64xf32, #tpu.memory_space<vmem>> -> memref<256x64xf32, #tpu.memory_space<vmem>>
      %dma_start3A_350 = arith.constant 0 : i32
      %dma_start3A_351 = tpu.memref_slice %arg4[%multiple_of3A_343, %dma_start3A_350] : memref<425984x64xf32, #tpu.memory_space<hbm>> -> memref<256x64xf32, #tpu.memory_space<hbm>>
      %dma_start3A_352 = tpu.memref_slice %arg8[%dma_start3A_345] : memref<4x!tpu.dma_semaphore, #tpu.memory_space<semaphore_mem>> -> memref<1x!tpu.dma_semaphore, #tpu.memory_space<semaphore_mem>>
      %dma_start3A_353 = tpu.memref_squeeze %dma_start3A_352 : memref<1x!tpu.dma_semaphore, #tpu.memory_space<semaphore_mem>> -> memref<!tpu.dma_semaphore, #tpu.memory_space<semaphore_mem>>
      %dma_start3A_354 = arith.constant 0 : i32
      %dma_start3A_355 = tpu.memref_slice %arg4[%multiple_of3A_343, %dma_start3A_354] : memref<425984x64xf32, #tpu.memory_space<hbm>> -> memref<256x64xf32, #tpu.memory_space<hbm>>
      %dma_start3A_356 = arith.constant 0 : i32
      %dma_start3A_357 = arith.constant 0 : i32
      %dma_start3A_358 = tpu.memref_slice %arg6[%dma_start3A_344, %dma_start3A_356, %dma_start3A_357] : memref<4x256x64xf32, #tpu.memory_space<vmem>> -> memref<1x256x64xf32, #tpu.memory_space<vmem>>
      %dma_start3A_359 = tpu.memref_squeeze %dma_start3A_358 : memref<1x256x64xf32, #tpu.memory_space<vmem>> -> memref<256x64xf32, #tpu.memory_space<vmem>>
      tpu.enqueue_dma source(%dma_start3A_359 : memref<256x64xf32, #tpu.memory_space<vmem>>) target(%dma_start3A_355 : memref<256x64xf32, #tpu.memory_space<hbm>>) target_semaphore(%dma_start3A_353 : memref<!tpu.dma_semaphore, #tpu.memory_space<semaphore_mem>>)
      %dma_wait3A_360 = arith.constant 1 : i32
      %dma_wait3A_361 = arith.constant 1 : i32
      %dma_wait3A_362 = arith.constant 0 : i32
      %dma_wait3A_363 = arith.constant 0 : i32
      %dma_wait3A_364 = tpu.memref_slice %arg6[%dma_wait3A_360, %dma_wait3A_362, %dma_wait3A_363] : memref<4x256x64xf32, #tpu.memory_space<vmem>> -> memref<1x256x64xf32, #tpu.memory_space<vmem>>
      %dma_wait3A_365 = tpu.memref_squeeze %dma_wait3A_364 : memref<1x256x64xf32, #tpu.memory_space<vmem>> -> memref<256x64xf32, #tpu.memory_space<vmem>>
      %dma_wait3A_366 = arith.constant 0 : i32
      %dma_wait3A_367 = arith.constant 0 : i32
      %dma_wait3A_368 = tpu.memref_slice %arg4[%dma_wait3A_366, %dma_wait3A_367] : memref<425984x64xf32, #tpu.memory_space<hbm>> -> memref<256x64xf32, #tpu.memory_space<hbm>>
      %dma_wait3A_369 = tpu.memref_slice %arg8[%dma_wait3A_361] : memref<4x!tpu.dma_semaphore, #tpu.memory_space<semaphore_mem>> -> memref<1x!tpu.dma_semaphore, #tpu.memory_space<semaphore_mem>>
      %dma_wait3A_370 = tpu.memref_squeeze %dma_wait3A_369 : memref<1x!tpu.dma_semaphore, #tpu.memory_space<semaphore_mem>> -> memref<!tpu.dma_semaphore, #tpu.memory_space<semaphore_mem>>
      %dma_wait3A_371 = arith.constant 0 : i32
      %dma_wait3A_372 = arith.constant 0 : i32
      %dma_wait3A_373 = tpu.memref_slice %arg4[%dma_wait3A_371, %dma_wait3A_372] : memref<425984x64xf32, #tpu.memory_space<hbm>> -> memref<256x64xf32, #tpu.memory_space<hbm>>
      %dma_wait3A_374 = arith.constant 0 : i32
      %dma_wait3A_375 = arith.constant 0 : i32
      %dma_wait3A_376 = tpu.memref_slice %arg6[%dma_wait3A_360, %dma_wait3A_374, %dma_wait3A_375] : memref<4x256x64xf32, #tpu.memory_space<vmem>> -> memref<1x256x64xf32, #tpu.memory_space<vmem>>
      %dma_wait3A_377 = tpu.memref_squeeze %dma_wait3A_376 : memref<1x256x64xf32, #tpu.memory_space<vmem>> -> memref<256x64xf32, #tpu.memory_space<vmem>>
      tpu.wait_dma2 semaphore(%dma_wait3A_370 : memref<!tpu.dma_semaphore, #tpu.memory_space<semaphore_mem>>) src(%dma_wait3A_377 : memref<256x64xf32, #tpu.memory_space<vmem>>) dst(%dma_wait3A_373 : memref<256x64xf32, #tpu.memory_space<hbm>>)
      %add3A_378 = arith.constant 4 : i32
      %add3A_379 = arith.addi %add3A_321, %add3A_378 : i32
      %mul3A_380 = arith.constant 2 : i32
      %mul3A_381 = arith.muli %add3A_379, %mul3A_380 : i32
      %add3A_382 = arith.constant 0 : i32
      %add3A_383 = arith.addi %mul3A_381, %add3A_382 : i32
      %dma_start3A_384 = arith.constant 1 : i32
      %dma_start3A_385 = arith.constant 1 : i32
      %dma_start3A_386 = arith.constant 0 : i32
      %dma_start3A_387 = arith.constant 0 : i32
      %dma_start3A_388 = tpu.memref_slice %arg6[%dma_start3A_384, %dma_start3A_386, %dma_start3A_387] : memref<4x256x64xf32, #tpu.memory_space<vmem>> -> memref<1x128x64xf32, #tpu.memory_space<vmem>>
      %dma_start3A_389 = tpu.memref_squeeze %dma_start3A_388 : memref<1x128x64xf32, #tpu.memory_space<vmem>> -> memref<128x64xf32, #tpu.memory_space<vmem>>
      %dma_start3A_390 = arith.constant 0 : i32
      %dma_start3A_391 = tpu.memref_slice %arg5[%add3A_383, %dma_start3A_390] : memref<104x128xi32, #tpu.memory_space<vmem>> -> memref<1x128xi32, #tpu.memory_space<vmem>>
      %dma_start3A_392 = tpu.memref_squeeze %dma_start3A_391 : memref<1x128xi32, #tpu.memory_space<vmem>> -> memref<128xi32, #tpu.memory_space<vmem>>
      %dma_start3A_393 = arith.constant 0 : i32
      %dma_start3A_394 = arith.constant 0 : i32
      %dma_start3A_395 = tpu.memref_slice %arg3[%dma_start3A_393, %dma_start3A_394] : memref<1000000x64xf32, #tpu.memory_space<hbm>> -> memref<1000000x64xf32, #tpu.memory_space<hbm>>
      %dma_start3A_396 = tpu.memref_slice %arg7[%dma_start3A_385] : memref<4x!tpu.dma_semaphore, #tpu.memory_space<semaphore_mem>> -> memref<1x!tpu.dma_semaphore, #tpu.memory_space<semaphore_mem>>
      %dma_start3A_397 = tpu.memref_squeeze %dma_start3A_396 : memref<1x!tpu.dma_semaphore, #tpu.memory_space<semaphore_mem>> -> memref<!tpu.dma_semaphore, #tpu.memory_space<semaphore_mem>>
      tpu.enqueue_indirect_dma source(%dma_start3A_395 : memref<1000000x64xf32, #tpu.memory_space<hbm>>) target(%dma_start3A_389 : memref<128x64xf32, #tpu.memory_space<vmem>>) offsets(%dma_start3A_392 : memref<128xi32, #tpu.memory_space<vmem>>) semaphore(%dma_start3A_397 : memref<!tpu.dma_semaphore, #tpu.memory_space<semaphore_mem>>)
      %mul3A_398 = arith.constant 2 : i32
      %mul3A_399 = arith.muli %add3A_379, %mul3A_398 : i32
      %add3A_400 = arith.constant 1 : i32
      %add3A_401 = arith.addi %mul3A_399, %add3A_400 : i32
      %dma_start3A_402 = arith.constant 1 : i32
      %dma_start3A_403 = arith.constant 1 : i32
      %dma_start3A_404 = arith.constant 128 : i32
      %dma_start3A_405 = arith.constant 0 : i32
      %dma_start3A_406 = tpu.memref_slice %arg6[%dma_start3A_402, %dma_start3A_404, %dma_start3A_405] : memref<4x256x64xf32, #tpu.memory_space<vmem>> -> memref<1x128x64xf32, #tpu.memory_space<vmem>>
      %dma_start3A_407 = tpu.memref_squeeze %dma_start3A_406 : memref<1x128x64xf32, #tpu.memory_space<vmem>> -> memref<128x64xf32, #tpu.memory_space<vmem>>
      %dma_start3A_408 = arith.constant 0 : i32
      %dma_start3A_409 = tpu.memref_slice %arg5[%add3A_401, %dma_start3A_408] : memref<104x128xi32, #tpu.memory_space<vmem>> -> memref<1x128xi32, #tpu.memory_space<vmem>>
      %dma_start3A_410 = tpu.memref_squeeze %dma_start3A_409 : memref<1x128xi32, #tpu.memory_space<vmem>> -> memref<128xi32, #tpu.memory_space<vmem>>
      %dma_start3A_411 = arith.constant 0 : i32
      %dma_start3A_412 = arith.constant 0 : i32
      %dma_start3A_413 = tpu.memref_slice %arg3[%dma_start3A_411, %dma_start3A_412] : memref<1000000x64xf32, #tpu.memory_space<hbm>> -> memref<1000000x64xf32, #tpu.memory_space<hbm>>
      %dma_start3A_414 = tpu.memref_slice %arg7[%dma_start3A_403] : memref<4x!tpu.dma_semaphore, #tpu.memory_space<semaphore_mem>> -> memref<1x!tpu.dma_semaphore, #tpu.memory_space<semaphore_mem>>
      %dma_start3A_415 = tpu.memref_squeeze %dma_start3A_414 : memref<1x!tpu.dma_semaphore, #tpu.memory_space<semaphore_mem>> -> memref<!tpu.dma_semaphore, #tpu.memory_space<semaphore_mem>>
      tpu.enqueue_indirect_dma source(%dma_start3A_413 : memref<1000000x64xf32, #tpu.memory_space<hbm>>) target(%dma_start3A_407 : memref<128x64xf32, #tpu.memory_space<vmem>>) offsets(%dma_start3A_410 : memref<128xi32, #tpu.memory_space<vmem>>) semaphore(%dma_start3A_415 : memref<!tpu.dma_semaphore, #tpu.memory_space<semaphore_mem>>)
      %add3A_416 = arith.constant 2 : i32
      %add3A_417 = arith.addi %add3A_223, %add3A_416 : i32
      %dma_wait3A_418 = arith.constant 2 : i32
      %dma_wait3A_419 = arith.constant 2 : i32
      %dma_wait3A_420 = arith.constant 0 : i32
      %dma_wait3A_421 = arith.constant 0 : i32
      %dma_wait3A_422 = tpu.memref_slice %arg6[%dma_wait3A_418, %dma_wait3A_420, %dma_wait3A_421] : memref<4x256x64xf32, #tpu.memory_space<vmem>> -> memref<1x256x64xf32, #tpu.memory_space<vmem>>
      %dma_wait3A_423 = tpu.memref_squeeze %dma_wait3A_422 : memref<1x256x64xf32, #tpu.memory_space<vmem>> -> memref<256x64xf32, #tpu.memory_space<vmem>>
      %dma_wait3A_424 = arith.constant 0 : i32
      %dma_wait3A_425 = arith.constant 0 : i32
      %dma_wait3A_426 = tpu.memref_slice %arg4[%dma_wait3A_424, %dma_wait3A_425] : memref<425984x64xf32, #tpu.memory_space<hbm>> -> memref<256x64xf32, #tpu.memory_space<hbm>>
      %dma_wait3A_427 = tpu.memref_slice %arg7[%dma_wait3A_419] : memref<4x!tpu.dma_semaphore, #tpu.memory_space<semaphore_mem>> -> memref<1x!tpu.dma_semaphore, #tpu.memory_space<semaphore_mem>>
      %dma_wait3A_428 = tpu.memref_squeeze %dma_wait3A_427 : memref<1x!tpu.dma_semaphore, #tpu.memory_space<semaphore_mem>> -> memref<!tpu.dma_semaphore, #tpu.memory_space<semaphore_mem>>
      %dma_wait3A_429 = arith.constant 0 : i32
      %dma_wait3A_430 = arith.constant 0 : i32
      %dma_wait3A_431 = tpu.memref_slice %arg6[%dma_wait3A_418, %dma_wait3A_429, %dma_wait3A_430] : memref<4x256x64xf32, #tpu.memory_space<vmem>> -> memref<1x256x64xf32, #tpu.memory_space<vmem>>
      %dma_wait3A_432 = tpu.memref_squeeze %dma_wait3A_431 : memref<1x256x64xf32, #tpu.memory_space<vmem>> -> memref<256x64xf32, #tpu.memory_space<vmem>>
      %dma_wait3A_433 = arith.constant 0 : i32
      %dma_wait3A_434 = arith.constant 0 : i32
      %dma_wait3A_435 = tpu.memref_slice %arg4[%dma_wait3A_433, %dma_wait3A_434] : memref<425984x64xf32, #tpu.memory_space<hbm>> -> memref<256x64xf32, #tpu.memory_space<hbm>>
      tpu.wait_dma2 semaphore(%dma_wait3A_428 : memref<!tpu.dma_semaphore, #tpu.memory_space<semaphore_mem>>) src(%dma_wait3A_435 : memref<256x64xf32, #tpu.memory_space<hbm>>) dst(%dma_wait3A_432 : memref<256x64xf32, #tpu.memory_space<vmem>>)
      %add3A_436 = arith.addi %mul3A_2, %add3A_417 : i32
      %mul3A_437 = arith.constant 256 : i32
      %mul3A_438 = arith.muli %add3A_436, %mul3A_437 : i32
      %multiple_of3A_439 = tpu.assume_multiple %mul3A_438, 256 : i32
      %dma_start3A_440 = arith.constant 2 : i32
      %dma_start3A_441 = arith.constant 2 : i32
      %dma_start3A_442 = arith.constant 0 : i32
      %dma_start3A_443 = arith.constant 0 : i32
      %dma_start3A_444 = tpu.memref_slice %arg6[%dma_start3A_440, %dma_start3A_442, %dma_start3A_443] : memref<4x256x64xf32, #tpu.memory_space<vmem>> -> memref<1x256x64xf32, #tpu.memory_space<vmem>>
      %dma_start3A_445 = tpu.memref_squeeze %dma_start3A_444 : memref<1x256x64xf32, #tpu.memory_space<vmem>> -> memref<256x64xf32, #tpu.memory_space<vmem>>
      %dma_start3A_446 = arith.constant 0 : i32
      %dma_start3A_447 = tpu.memref_slice %arg4[%multiple_of3A_439, %dma_start3A_446] : memref<425984x64xf32, #tpu.memory_space<hbm>> -> memref<256x64xf32, #tpu.memory_space<hbm>>
      %dma_start3A_448 = tpu.memref_slice %arg8[%dma_start3A_441] : memref<4x!tpu.dma_semaphore, #tpu.memory_space<semaphore_mem>> -> memref<1x!tpu.dma_semaphore, #tpu.memory_space<semaphore_mem>>
      %dma_start3A_449 = tpu.memref_squeeze %dma_start3A_448 : memref<1x!tpu.dma_semaphore, #tpu.memory_space<semaphore_mem>> -> memref<!tpu.dma_semaphore, #tpu.memory_space<semaphore_mem>>
      %dma_start3A_450 = arith.constant 0 : i32
      %dma_start3A_451 = tpu.memref_slice %arg4[%multiple_of3A_439, %dma_start3A_450] : memref<425984x64xf32, #tpu.memory_space<hbm>> -> memref<256x64xf32, #tpu.memory_space<hbm>>
      %dma_start3A_452 = arith.constant 0 : i32
      %dma_start3A_453 = arith.constant 0 : i32
      %dma_start3A_454 = tpu.memref_slice %arg6[%dma_start3A_440, %dma_start3A_452, %dma_start3A_453] : memref<4x256x64xf32, #tpu.memory_space<vmem>> -> memref<1x256x64xf32, #tpu.memory_space<vmem>>
      %dma_start3A_455 = tpu.memref_squeeze %dma_start3A_454 : memref<1x256x64xf32, #tpu.memory_space<vmem>> -> memref<256x64xf32, #tpu.memory_space<vmem>>
      tpu.enqueue_dma source(%dma_start3A_455 : memref<256x64xf32, #tpu.memory_space<vmem>>) target(%dma_start3A_451 : memref<256x64xf32, #tpu.memory_space<hbm>>) target_semaphore(%dma_start3A_449 : memref<!tpu.dma_semaphore, #tpu.memory_space<semaphore_mem>>)
      %dma_wait3A_456 = arith.constant 2 : i32
      %dma_wait3A_457 = arith.constant 2 : i32
      %dma_wait3A_458 = arith.constant 0 : i32
      %dma_wait3A_459 = arith.constant 0 : i32
      %dma_wait3A_460 = tpu.memref_slice %arg6[%dma_wait3A_456, %dma_wait3A_458, %dma_wait3A_459] : memref<4x256x64xf32, #tpu.memory_space<vmem>> -> memref<1x256x64xf32, #tpu.memory_space<vmem>>
      %dma_wait3A_461 = tpu.memref_squeeze %dma_wait3A_460 : memref<1x256x64xf32, #tpu.memory_space<vmem>> -> memref<256x64xf32, #tpu.memory_space<vmem>>
      %dma_wait3A_462 = arith.constant 0 : i32
      %dma_wait3A_463 = arith.constant 0 : i32
      %dma_wait3A_464 = tpu.memref_slice %arg4[%dma_wait3A_462, %dma_wait3A_463] : memref<425984x64xf32, #tpu.memory_space<hbm>> -> memref<256x64xf32, #tpu.memory_space<hbm>>
      %dma_wait3A_465 = tpu.memref_slice %arg8[%dma_wait3A_457] : memref<4x!tpu.dma_semaphore, #tpu.memory_space<semaphore_mem>> -> memref<1x!tpu.dma_semaphore, #tpu.memory_space<semaphore_mem>>
      %dma_wait3A_466 = tpu.memref_squeeze %dma_wait3A_465 : memref<1x!tpu.dma_semaphore, #tpu.memory_space<semaphore_mem>> -> memref<!tpu.dma_semaphore, #tpu.memory_space<semaphore_mem>>
      %dma_wait3A_467 = arith.constant 0 : i32
      %dma_wait3A_468 = arith.constant 0 : i32
      %dma_wait3A_469 = tpu.memref_slice %arg4[%dma_wait3A_467, %dma_wait3A_468] : memref<425984x64xf32, #tpu.memory_space<hbm>> -> memref<256x64xf32, #tpu.memory_space<hbm>>
      %dma_wait3A_470 = arith.constant 0 : i32
      %dma_wait3A_471 = arith.constant 0 : i32
      %dma_wait3A_472 = tpu.memref_slice %arg6[%dma_wait3A_456, %dma_wait3A_470, %dma_wait3A_471] : memref<4x256x64xf32, #tpu.memory_space<vmem>> -> memref<1x256x64xf32, #tpu.memory_space<vmem>>
      %dma_wait3A_473 = tpu.memref_squeeze %dma_wait3A_472 : memref<1x256x64xf32, #tpu.memory_space<vmem>> -> memref<256x64xf32, #tpu.memory_space<vmem>>
      tpu.wait_dma2 semaphore(%dma_wait3A_466 : memref<!tpu.dma_semaphore, #tpu.memory_space<semaphore_mem>>) src(%dma_wait3A_473 : memref<256x64xf32, #tpu.memory_space<vmem>>) dst(%dma_wait3A_469 : memref<256x64xf32, #tpu.memory_space<hbm>>)
      %add3A_474 = arith.constant 4 : i32
      %add3A_475 = arith.addi %add3A_417, %add3A_474 : i32
      %mul3A_476 = arith.constant 2 : i32
      %mul3A_477 = arith.muli %add3A_475, %mul3A_476 : i32
      %add3A_478 = arith.constant 0 : i32
      %add3A_479 = arith.addi %mul3A_477, %add3A_478 : i32
      %dma_start3A_480 = arith.constant 2 : i32
      %dma_start3A_481 = arith.constant 2 : i32
      %dma_start3A_482 = arith.constant 0 : i32
      %dma_start3A_483 = arith.constant 0 : i32
      %dma_start3A_484 = tpu.memref_slice %arg6[%dma_start3A_480, %dma_start3A_482, %dma_start3A_483] : memref<4x256x64xf32, #tpu.memory_space<vmem>> -> memref<1x128x64xf32, #tpu.memory_space<vmem>>
      %dma_start3A_485 = tpu.memref_squeeze %dma_start3A_484 : memref<1x128x64xf32, #tpu.memory_space<vmem>> -> memref<128x64xf32, #tpu.memory_space<vmem>>
      %dma_start3A_486 = arith.constant 0 : i32
      %dma_start3A_487 = tpu.memref_slice %arg5[%add3A_479, %dma_start3A_486] : memref<104x128xi32, #tpu.memory_space<vmem>> -> memref<1x128xi32, #tpu.memory_space<vmem>>
      %dma_start3A_488 = tpu.memref_squeeze %dma_start3A_487 : memref<1x128xi32, #tpu.memory_space<vmem>> -> memref<128xi32, #tpu.memory_space<vmem>>
      %dma_start3A_489 = arith.constant 0 : i32
      %dma_start3A_490 = arith.constant 0 : i32
      %dma_start3A_491 = tpu.memref_slice %arg3[%dma_start3A_489, %dma_start3A_490] : memref<1000000x64xf32, #tpu.memory_space<hbm>> -> memref<1000000x64xf32, #tpu.memory_space<hbm>>
      %dma_start3A_492 = tpu.memref_slice %arg7[%dma_start3A_481] : memref<4x!tpu.dma_semaphore, #tpu.memory_space<semaphore_mem>> -> memref<1x!tpu.dma_semaphore, #tpu.memory_space<semaphore_mem>>
      %dma_start3A_493 = tpu.memref_squeeze %dma_start3A_492 : memref<1x!tpu.dma_semaphore, #tpu.memory_space<semaphore_mem>> -> memref<!tpu.dma_semaphore, #tpu.memory_space<semaphore_mem>>
      tpu.enqueue_indirect_dma source(%dma_start3A_491 : memref<1000000x64xf32, #tpu.memory_space<hbm>>) target(%dma_start3A_485 : memref<128x64xf32, #tpu.memory_space<vmem>>) offsets(%dma_start3A_488 : memref<128xi32, #tpu.memory_space<vmem>>) semaphore(%dma_start3A_493 : memref<!tpu.dma_semaphore, #tpu.memory_space<semaphore_mem>>)
      %mul3A_494 = arith.constant 2 : i32
      %mul3A_495 = arith.muli %add3A_475, %mul3A_494 : i32
      %add3A_496 = arith.constant 1 : i32
      %add3A_497 = arith.addi %mul3A_495, %add3A_496 : i32
      %dma_start3A_498 = arith.constant 2 : i32
      %dma_start3A_499 = arith.constant 2 : i32
      %dma_start3A_500 = arith.constant 128 : i32
      %dma_start3A_501 = arith.constant 0 : i32
      %dma_start3A_502 = tpu.memref_slice %arg6[%dma_start3A_498, %dma_start3A_500, %dma_start3A_501] : memref<4x256x64xf32, #tpu.memory_space<vmem>> -> memref<1x128x64xf32, #tpu.memory_space<vmem>>
      %dma_start3A_503 = tpu.memref_squeeze %dma_start3A_502 : memref<1x128x64xf32, #tpu.memory_space<vmem>> -> memref<128x64xf32, #tpu.memory_space<vmem>>
      %dma_start3A_504 = arith.constant 0 : i32
      %dma_start3A_505 = tpu.memref_slice %arg5[%add3A_497, %dma_start3A_504] : memref<104x128xi32, #tpu.memory_space<vmem>> -> memref<1x128xi32, #tpu.memory_space<vmem>>
      %dma_start3A_506 = tpu.memref_squeeze %dma_start3A_505 : memref<1x128xi32, #tpu.memory_space<vmem>> -> memref<128xi32, #tpu.memory_space<vmem>>
      %dma_start3A_507 = arith.constant 0 : i32
      %dma_start3A_508 = arith.constant 0 : i32
      %dma_start3A_509 = tpu.memref_slice %arg3[%dma_start3A_507, %dma_start3A_508] : memref<1000000x64xf32, #tpu.memory_space<hbm>> -> memref<1000000x64xf32, #tpu.memory_space<hbm>>
      %dma_start3A_510 = tpu.memref_slice %arg7[%dma_start3A_499] : memref<4x!tpu.dma_semaphore, #tpu.memory_space<semaphore_mem>> -> memref<1x!tpu.dma_semaphore, #tpu.memory_space<semaphore_mem>>
      %dma_start3A_511 = tpu.memref_squeeze %dma_start3A_510 : memref<1x!tpu.dma_semaphore, #tpu.memory_space<semaphore_mem>> -> memref<!tpu.dma_semaphore, #tpu.memory_space<semaphore_mem>>
      tpu.enqueue_indirect_dma source(%dma_start3A_509 : memref<1000000x64xf32, #tpu.memory_space<hbm>>) target(%dma_start3A_503 : memref<128x64xf32, #tpu.memory_space<vmem>>) offsets(%dma_start3A_506 : memref<128xi32, #tpu.memory_space<vmem>>) semaphore(%dma_start3A_511 : memref<!tpu.dma_semaphore, #tpu.memory_space<semaphore_mem>>)
      %add3A_512 = arith.constant 3 : i32
      %add3A_513 = arith.addi %add3A_223, %add3A_512 : i32
      %dma_wait3A_514 = arith.constant 3 : i32
      %dma_wait3A_515 = arith.constant 3 : i32
      %dma_wait3A_516 = arith.constant 0 : i32
      %dma_wait3A_517 = arith.constant 0 : i32
      %dma_wait3A_518 = tpu.memref_slice %arg6[%dma_wait3A_514, %dma_wait3A_516, %dma_wait3A_517] : memref<4x256x64xf32, #tpu.memory_space<vmem>> -> memref<1x256x64xf32, #tpu.memory_space<vmem>>
      %dma_wait3A_519 = tpu.memref_squeeze %dma_wait3A_518 : memref<1x256x64xf32, #tpu.memory_space<vmem>> -> memref<256x64xf32, #tpu.memory_space<vmem>>
      %dma_wait3A_520 = arith.constant 0 : i32
      %dma_wait3A_521 = arith.constant 0 : i32
      %dma_wait3A_522 = tpu.memref_slice %arg4[%dma_wait3A_520, %dma_wait3A_521] : memref<425984x64xf32, #tpu.memory_space<hbm>> -> memref<256x64xf32, #tpu.memory_space<hbm>>
      %dma_wait3A_523 = tpu.memref_slice %arg7[%dma_wait3A_515] : memref<4x!tpu.dma_semaphore, #tpu.memory_space<semaphore_mem>> -> memref<1x!tpu.dma_semaphore, #tpu.memory_space<semaphore_mem>>
      %dma_wait3A_524 = tpu.memref_squeeze %dma_wait3A_523 : memref<1x!tpu.dma_semaphore, #tpu.memory_space<semaphore_mem>> -> memref<!tpu.dma_semaphore, #tpu.memory_space<semaphore_mem>>
      %dma_wait3A_525 = arith.constant 0 : i32
      %dma_wait3A_526 = arith.constant 0 : i32
      %dma_wait3A_527 = tpu.memref_slice %arg6[%dma_wait3A_514, %dma_wait3A_525, %dma_wait3A_526] : memref<4x256x64xf32, #tpu.memory_space<vmem>> -> memref<1x256x64xf32, #tpu.memory_space<vmem>>
      %dma_wait3A_528 = tpu.memref_squeeze %dma_wait3A_527 : memref<1x256x64xf32, #tpu.memory_space<vmem>> -> memref<256x64xf32, #tpu.memory_space<vmem>>
      %dma_wait3A_529 = arith.constant 0 : i32
      %dma_wait3A_530 = arith.constant 0 : i32
      %dma_wait3A_531 = tpu.memref_slice %arg4[%dma_wait3A_529, %dma_wait3A_530] : memref<425984x64xf32, #tpu.memory_space<hbm>> -> memref<256x64xf32, #tpu.memory_space<hbm>>
      tpu.wait_dma2 semaphore(%dma_wait3A_524 : memref<!tpu.dma_semaphore, #tpu.memory_space<semaphore_mem>>) src(%dma_wait3A_531 : memref<256x64xf32, #tpu.memory_space<hbm>>) dst(%dma_wait3A_528 : memref<256x64xf32, #tpu.memory_space<vmem>>)
      %add3A_532 = arith.addi %mul3A_2, %add3A_513 : i32
      %mul3A_533 = arith.constant 256 : i32
      %mul3A_534 = arith.muli %add3A_532, %mul3A_533 : i32
      %multiple_of3A_535 = tpu.assume_multiple %mul3A_534, 256 : i32
      %dma_start3A_536 = arith.constant 3 : i32
      %dma_start3A_537 = arith.constant 3 : i32
      %dma_start3A_538 = arith.constant 0 : i32
      %dma_start3A_539 = arith.constant 0 : i32
      %dma_start3A_540 = tpu.memref_slice %arg6[%dma_start3A_536, %dma_start3A_538, %dma_start3A_539] : memref<4x256x64xf32, #tpu.memory_space<vmem>> -> memref<1x256x64xf32, #tpu.memory_space<vmem>>
      %dma_start3A_541 = tpu.memref_squeeze %dma_start3A_540 : memref<1x256x64xf32, #tpu.memory_space<vmem>> -> memref<256x64xf32, #tpu.memory_space<vmem>>
      %dma_start3A_542 = arith.constant 0 : i32
      %dma_start3A_543 = tpu.memref_slice %arg4[%multiple_of3A_535, %dma_start3A_542] : memref<425984x64xf32, #tpu.memory_space<hbm>> -> memref<256x64xf32, #tpu.memory_space<hbm>>
      %dma_start3A_544 = tpu.memref_slice %arg8[%dma_start3A_537] : memref<4x!tpu.dma_semaphore, #tpu.memory_space<semaphore_mem>> -> memref<1x!tpu.dma_semaphore, #tpu.memory_space<semaphore_mem>>
      %dma_start3A_545 = tpu.memref_squeeze %dma_start3A_544 : memref<1x!tpu.dma_semaphore, #tpu.memory_space<semaphore_mem>> -> memref<!tpu.dma_semaphore, #tpu.memory_space<semaphore_mem>>
      %dma_start3A_546 = arith.constant 0 : i32
      %dma_start3A_547 = tpu.memref_slice %arg4[%multiple_of3A_535, %dma_start3A_546] : memref<425984x64xf32, #tpu.memory_space<hbm>> -> memref<256x64xf32, #tpu.memory_space<hbm>>
      %dma_start3A_548 = arith.constant 0 : i32
      %dma_start3A_549 = arith.constant 0 : i32
      %dma_start3A_550 = tpu.memref_slice %arg6[%dma_start3A_536, %dma_start3A_548, %dma_start3A_549] : memref<4x256x64xf32, #tpu.memory_space<vmem>> -> memref<1x256x64xf32, #tpu.memory_space<vmem>>
      %dma_start3A_551 = tpu.memref_squeeze %dma_start3A_550 : memref<1x256x64xf32, #tpu.memory_space<vmem>> -> memref<256x64xf32, #tpu.memory_space<vmem>>
      tpu.enqueue_dma source(%dma_start3A_551 : memref<256x64xf32, #tpu.memory_space<vmem>>) target(%dma_start3A_547 : memref<256x64xf32, #tpu.memory_space<hbm>>) target_semaphore(%dma_start3A_545 : memref<!tpu.dma_semaphore, #tpu.memory_space<semaphore_mem>>)
      %dma_wait3A_552 = arith.constant 3 : i32
      %dma_wait3A_553 = arith.constant 3 : i32
      %dma_wait3A_554 = arith.constant 0 : i32
      %dma_wait3A_555 = arith.constant 0 : i32
      %dma_wait3A_556 = tpu.memref_slice %arg6[%dma_wait3A_552, %dma_wait3A_554, %dma_wait3A_555] : memref<4x256x64xf32, #tpu.memory_space<vmem>> -> memref<1x256x64xf32, #tpu.memory_space<vmem>>
      %dma_wait3A_557 = tpu.memref_squeeze %dma_wait3A_556 : memref<1x256x64xf32, #tpu.memory_space<vmem>> -> memref<256x64xf32, #tpu.memory_space<vmem>>
      %dma_wait3A_558 = arith.constant 0 : i32
      %dma_wait3A_559 = arith.constant 0 : i32
      %dma_wait3A_560 = tpu.memref_slice %arg4[%dma_wait3A_558, %dma_wait3A_559] : memref<425984x64xf32, #tpu.memory_space<hbm>> -> memref<256x64xf32, #tpu.memory_space<hbm>>
      %dma_wait3A_561 = tpu.memref_slice %arg8[%dma_wait3A_553] : memref<4x!tpu.dma_semaphore, #tpu.memory_space<semaphore_mem>> -> memref<1x!tpu.dma_semaphore, #tpu.memory_space<semaphore_mem>>
      %dma_wait3A_562 = tpu.memref_squeeze %dma_wait3A_561 : memref<1x!tpu.dma_semaphore, #tpu.memory_space<semaphore_mem>> -> memref<!tpu.dma_semaphore, #tpu.memory_space<semaphore_mem>>
      %dma_wait3A_563 = arith.constant 0 : i32
      %dma_wait3A_564 = arith.constant 0 : i32
      %dma_wait3A_565 = tpu.memref_slice %arg4[%dma_wait3A_563, %dma_wait3A_564] : memref<425984x64xf32, #tpu.memory_space<hbm>> -> memref<256x64xf32, #tpu.memory_space<hbm>>
      %dma_wait3A_566 = arith.constant 0 : i32
      %dma_wait3A_567 = arith.constant 0 : i32
      %dma_wait3A_568 = tpu.memref_slice %arg6[%dma_wait3A_552, %dma_wait3A_566, %dma_wait3A_567] : memref<4x256x64xf32, #tpu.memory_space<vmem>> -> memref<1x256x64xf32, #tpu.memory_space<vmem>>
      %dma_wait3A_569 = tpu.memref_squeeze %dma_wait3A_568 : memref<1x256x64xf32, #tpu.memory_space<vmem>> -> memref<256x64xf32, #tpu.memory_space<vmem>>
      tpu.wait_dma2 semaphore(%dma_wait3A_562 : memref<!tpu.dma_semaphore, #tpu.memory_space<semaphore_mem>>) src(%dma_wait3A_569 : memref<256x64xf32, #tpu.memory_space<vmem>>) dst(%dma_wait3A_565 : memref<256x64xf32, #tpu.memory_space<hbm>>)
      %add3A_570 = arith.constant 4 : i32
      %add3A_571 = arith.addi %add3A_513, %add3A_570 : i32
      %mul3A_572 = arith.constant 2 : i32
      %mul3A_573 = arith.muli %add3A_571, %mul3A_572 : i32
      %add3A_574 = arith.constant 0 : i32
      %add3A_575 = arith.addi %mul3A_573, %add3A_574 : i32
      %dma_start3A_576 = arith.constant 3 : i32
      %dma_start3A_577 = arith.constant 3 : i32
      %dma_start3A_578 = arith.constant 0 : i32
      %dma_start3A_579 = arith.constant 0 : i32
      %dma_start3A_580 = tpu.memref_slice %arg6[%dma_start3A_576, %dma_start3A_578, %dma_start3A_579] : memref<4x256x64xf32, #tpu.memory_space<vmem>> -> memref<1x128x64xf32, #tpu.memory_space<vmem>>
      %dma_start3A_581 = tpu.memref_squeeze %dma_start3A_580 : memref<1x128x64xf32, #tpu.memory_space<vmem>> -> memref<128x64xf32, #tpu.memory_space<vmem>>
      %dma_start3A_582 = arith.constant 0 : i32
      %dma_start3A_583 = tpu.memref_slice %arg5[%add3A_575, %dma_start3A_582] : memref<104x128xi32, #tpu.memory_space<vmem>> -> memref<1x128xi32, #tpu.memory_space<vmem>>
      %dma_start3A_584 = tpu.memref_squeeze %dma_start3A_583 : memref<1x128xi32, #tpu.memory_space<vmem>> -> memref<128xi32, #tpu.memory_space<vmem>>
      %dma_start3A_585 = arith.constant 0 : i32
      %dma_start3A_586 = arith.constant 0 : i32
      %dma_start3A_587 = tpu.memref_slice %arg3[%dma_start3A_585, %dma_start3A_586] : memref<1000000x64xf32, #tpu.memory_space<hbm>> -> memref<1000000x64xf32, #tpu.memory_space<hbm>>
      %dma_start3A_588 = tpu.memref_slice %arg7[%dma_start3A_577] : memref<4x!tpu.dma_semaphore, #tpu.memory_space<semaphore_mem>> -> memref<1x!tpu.dma_semaphore, #tpu.memory_space<semaphore_mem>>
      %dma_start3A_589 = tpu.memref_squeeze %dma_start3A_588 : memref<1x!tpu.dma_semaphore, #tpu.memory_space<semaphore_mem>> -> memref<!tpu.dma_semaphore, #tpu.memory_space<semaphore_mem>>
      tpu.enqueue_indirect_dma source(%dma_start3A_587 : memref<1000000x64xf32, #tpu.memory_space<hbm>>) target(%dma_start3A_581 : memref<128x64xf32, #tpu.memory_space<vmem>>) offsets(%dma_start3A_584 : memref<128xi32, #tpu.memory_space<vmem>>) semaphore(%dma_start3A_589 : memref<!tpu.dma_semaphore, #tpu.memory_space<semaphore_mem>>)
      %mul3A_590 = arith.constant 2 : i32
      %mul3A_591 = arith.muli %add3A_571, %mul3A_590 : i32
      %add3A_592 = arith.constant 1 : i32
      %add3A_593 = arith.addi %mul3A_591, %add3A_592 : i32
      %dma_start3A_594 = arith.constant 3 : i32
      %dma_start3A_595 = arith.constant 3 : i32
      %dma_start3A_596 = arith.constant 128 : i32
      %dma_start3A_597 = arith.constant 0 : i32
      %dma_start3A_598 = tpu.memref_slice %arg6[%dma_start3A_594, %dma_start3A_596, %dma_start3A_597] : memref<4x256x64xf32, #tpu.memory_space<vmem>> -> memref<1x128x64xf32, #tpu.memory_space<vmem>>
      %dma_start3A_599 = tpu.memref_squeeze %dma_start3A_598 : memref<1x128x64xf32, #tpu.memory_space<vmem>> -> memref<128x64xf32, #tpu.memory_space<vmem>>
      %dma_start3A_600 = arith.constant 0 : i32
      %dma_start3A_601 = tpu.memref_slice %arg5[%add3A_593, %dma_start3A_600] : memref<104x128xi32, #tpu.memory_space<vmem>> -> memref<1x128xi32, #tpu.memory_space<vmem>>
      %dma_start3A_602 = tpu.memref_squeeze %dma_start3A_601 : memref<1x128xi32, #tpu.memory_space<vmem>> -> memref<128xi32, #tpu.memory_space<vmem>>
      %dma_start3A_603 = arith.constant 0 : i32
      %dma_start3A_604 = arith.constant 0 : i32
      %dma_start3A_605 = tpu.memref_slice %arg3[%dma_start3A_603, %dma_start3A_604] : memref<1000000x64xf32, #tpu.memory_space<hbm>> -> memref<1000000x64xf32, #tpu.memory_space<hbm>>
      %dma_start3A_606 = tpu.memref_slice %arg7[%dma_start3A_595] : memref<4x!tpu.dma_semaphore, #tpu.memory_space<semaphore_mem>> -> memref<1x!tpu.dma_semaphore, #tpu.memory_space<semaphore_mem>>
      %dma_start3A_607 = tpu.memref_squeeze %dma_start3A_606 : memref<1x!tpu.dma_semaphore, #tpu.memory_space<semaphore_mem>> -> memref<!tpu.dma_semaphore, #tpu.memory_space<semaphore_mem>>
      tpu.enqueue_indirect_dma source(%dma_start3A_605 : memref<1000000x64xf32, #tpu.memory_space<hbm>>) target(%dma_start3A_599 : memref<128x64xf32, #tpu.memory_space<vmem>>) offsets(%dma_start3A_602 : memref<128xi32, #tpu.memory_space<vmem>>) semaphore(%dma_start3A_607 : memref<!tpu.dma_semaphore, #tpu.memory_space<semaphore_mem>>)
    }
    %scan3A_125 = arith.constant 12 : i32
    %dma_wait3A = arith.constant 0 : i32
    %dma_wait3A_126 = arith.constant 0 : i32
    %dma_wait3A_127 = arith.constant 0 : i32
    %dma_wait3A_128 = arith.constant 0 : i32
    %dma_wait3A_129 = tpu.memref_slice %arg6[%dma_wait3A, %dma_wait3A_127, %dma_wait3A_128] : memref<4x256x64xf32, #tpu.memory_space<vmem>> -> memref<1x256x64xf32, #tpu.memory_space<vmem>>
    %dma_wait3A_130 = tpu.memref_squeeze %dma_wait3A_129 : memref<1x256x64xf32, #tpu.memory_space<vmem>> -> memref<256x64xf32, #tpu.memory_space<vmem>>
    %dma_wait3A_131 = arith.constant 0 : i32
    %dma_wait3A_132 = arith.constant 0 : i32
    %dma_wait3A_133 = tpu.memref_slice %arg4[%dma_wait3A_131, %dma_wait3A_132] : memref<425984x64xf32, #tpu.memory_space<hbm>> -> memref<256x64xf32, #tpu.memory_space<hbm>>
    %dma_wait3A_134 = tpu.memref_slice %arg7[%dma_wait3A_126] : memref<4x!tpu.dma_semaphore, #tpu.memory_space<semaphore_mem>> -> memref<1x!tpu.dma_semaphore, #tpu.memory_space<semaphore_mem>>
    %dma_wait3A_135 = tpu.memref_squeeze %dma_wait3A_134 : memref<1x!tpu.dma_semaphore, #tpu.memory_space<semaphore_mem>> -> memref<!tpu.dma_semaphore, #tpu.memory_space<semaphore_mem>>
    %dma_wait3A_136 = arith.constant 0 : i32
    %dma_wait3A_137 = arith.constant 0 : i32
    %dma_wait3A_138 = tpu.memref_slice %arg6[%dma_wait3A, %dma_wait3A_136, %dma_wait3A_137] : memref<4x256x64xf32, #tpu.memory_space<vmem>> -> memref<1x256x64xf32, #tpu.memory_space<vmem>>
    %dma_wait3A_139 = tpu.memref_squeeze %dma_wait3A_138 : memref<1x256x64xf32, #tpu.memory_space<vmem>> -> memref<256x64xf32, #tpu.memory_space<vmem>>
    %dma_wait3A_140 = arith.constant 0 : i32
    %dma_wait3A_141 = arith.constant 0 : i32
    %dma_wait3A_142 = tpu.memref_slice %arg4[%dma_wait3A_140, %dma_wait3A_141] : memref<425984x64xf32, #tpu.memory_space<hbm>> -> memref<256x64xf32, #tpu.memory_space<hbm>>
    tpu.wait_dma2 semaphore(%dma_wait3A_135 : memref<!tpu.dma_semaphore, #tpu.memory_space<semaphore_mem>>) src(%dma_wait3A_142 : memref<256x64xf32, #tpu.memory_space<hbm>>) dst(%dma_wait3A_139 : memref<256x64xf32, #tpu.memory_space<vmem>>)
    %add3A_143 = arith.constant 48 : i32
    %add3A_144 = arith.addi %mul3A_2, %add3A_143 : i32
    %mul3A_145 = arith.constant 256 : i32
    %mul3A_146 = arith.muli %add3A_144, %mul3A_145 : i32
    %multiple_of3A = tpu.assume_multiple %mul3A_146, 256 : i32
    %run_scoped3A = arith.constant 0 : i32
    "tpu.region"() ({
      %run_scoped3A_219 = tpu.sem_alloc : memref<!tpu.dma_semaphore, #tpu.memory_space<semaphore_mem>>
      %dma_start3A_220 = arith.constant 0 : i32
      %dma_start3A_221 = arith.constant 0 : i32
      %dma_start3A_222 = tpu.memref_slice %arg6[%run_scoped3A, %dma_start3A_220, %dma_start3A_221] : memref<4x256x64xf32, #tpu.memory_space<vmem>> -> memref<1x256x64xf32, #tpu.memory_space<vmem>>
      %dma_start3A_223 = tpu.memref_squeeze %dma_start3A_222 : memref<1x256x64xf32, #tpu.memory_space<vmem>> -> memref<256x64xf32, #tpu.memory_space<vmem>>
      %dma_start3A_224 = arith.constant 0 : i32
      %dma_start3A_225 = tpu.memref_slice %arg4[%multiple_of3A, %dma_start3A_224] : memref<425984x64xf32, #tpu.memory_space<hbm>> -> memref<256x64xf32, #tpu.memory_space<hbm>>
      %dma_start3A_226 = arith.constant 0 : i32
      %dma_start3A_227 = tpu.memref_slice %arg4[%multiple_of3A, %dma_start3A_226] : memref<425984x64xf32, #tpu.memory_space<hbm>> -> memref<256x64xf32, #tpu.memory_space<hbm>>
      %dma_start3A_228 = arith.constant 0 : i32
      %dma_start3A_229 = arith.constant 0 : i32
      %dma_start3A_230 = tpu.memref_slice %arg6[%run_scoped3A, %dma_start3A_228, %dma_start3A_229] : memref<4x256x64xf32, #tpu.memory_space<vmem>> -> memref<1x256x64xf32, #tpu.memory_space<vmem>>
      %dma_start3A_231 = tpu.memref_squeeze %dma_start3A_230 : memref<1x256x64xf32, #tpu.memory_space<vmem>> -> memref<256x64xf32, #tpu.memory_space<vmem>>
      tpu.enqueue_dma source(%dma_start3A_231 : memref<256x64xf32, #tpu.memory_space<vmem>>) target(%dma_start3A_227 : memref<256x64xf32, #tpu.memory_space<hbm>>) target_semaphore(%run_scoped3A_219 : memref<!tpu.dma_semaphore, #tpu.memory_space<semaphore_mem>>)
      %dma_wait3A_232 = arith.constant 0 : i32
      %dma_wait3A_233 = arith.constant 0 : i32
      %dma_wait3A_234 = tpu.memref_slice %arg6[%run_scoped3A, %dma_wait3A_232, %dma_wait3A_233] : memref<4x256x64xf32, #tpu.memory_space<vmem>> -> memref<1x256x64xf32, #tpu.memory_space<vmem>>
      %dma_wait3A_235 = tpu.memref_squeeze %dma_wait3A_234 : memref<1x256x64xf32, #tpu.memory_space<vmem>> -> memref<256x64xf32, #tpu.memory_space<vmem>>
      %dma_wait3A_236 = arith.constant 0 : i32
      %dma_wait3A_237 = tpu.memref_slice %arg4[%multiple_of3A, %dma_wait3A_236] : memref<425984x64xf32, #tpu.memory_space<hbm>> -> memref<256x64xf32, #tpu.memory_space<hbm>>
      %dma_wait3A_238 = arith.constant 0 : i32
      %dma_wait3A_239 = tpu.memref_slice %arg4[%multiple_of3A, %dma_wait3A_238] : memref<425984x64xf32, #tpu.memory_space<hbm>> -> memref<256x64xf32, #tpu.memory_space<hbm>>
      %dma_wait3A_240 = arith.constant 0 : i32
      %dma_wait3A_241 = arith.constant 0 : i32
      %dma_wait3A_242 = tpu.memref_slice %arg6[%run_scoped3A, %dma_wait3A_240, %dma_wait3A_241] : memref<4x256x64xf32, #tpu.memory_space<vmem>> -> memref<1x256x64xf32, #tpu.memory_space<vmem>>
      %dma_wait3A_243 = tpu.memref_squeeze %dma_wait3A_242 : memref<1x256x64xf32, #tpu.memory_space<vmem>> -> memref<256x64xf32, #tpu.memory_space<vmem>>
      tpu.wait_dma2 semaphore(%run_scoped3A_219 : memref<!tpu.dma_semaphore, #tpu.memory_space<semaphore_mem>>) src(%dma_wait3A_243 : memref<256x64xf32, #tpu.memory_space<vmem>>) dst(%dma_wait3A_239 : memref<256x64xf32, #tpu.memory_space<hbm>>)
      tpu.yield
    }) : () -> ()
    %dma_wait3A_147 = arith.constant 1 : i32
    %dma_wait3A_148 = arith.constant 1 : i32
    %dma_wait3A_149 = arith.constant 0 : i32
    %dma_wait3A_150 = arith.constant 0 : i32
    %dma_wait3A_151 = tpu.memref_slice %arg6[%dma_wait3A_147, %dma_wait3A_149, %dma_wait3A_150] : memref<4x256x64xf32, #tpu.memory_space<vmem>> -> memref<1x256x64xf32, #tpu.memory_space<vmem>>
    %dma_wait3A_152 = tpu.memref_squeeze %dma_wait3A_151 : memref<1x256x64xf32, #tpu.memory_space<vmem>> -> memref<256x64xf32, #tpu.memory_space<vmem>>
    %dma_wait3A_153 = arith.constant 0 : i32
    %dma_wait3A_154 = arith.constant 0 : i32
    %dma_wait3A_155 = tpu.memref_slice %arg4[%dma_wait3A_153, %dma_wait3A_154] : memref<425984x64xf32, #tpu.memory_space<hbm>> -> memref<256x64xf32, #tpu.memory_space<hbm>>
    %dma_wait3A_156 = tpu.memref_slice %arg7[%dma_wait3A_148] : memref<4x!tpu.dma_semaphore, #tpu.memory_space<semaphore_mem>> -> memref<1x!tpu.dma_semaphore, #tpu.memory_space<semaphore_mem>>
    %dma_wait3A_157 = tpu.memref_squeeze %dma_wait3A_156 : memref<1x!tpu.dma_semaphore, #tpu.memory_space<semaphore_mem>> -> memref<!tpu.dma_semaphore, #tpu.memory_space<semaphore_mem>>
    %dma_wait3A_158 = arith.constant 0 : i32
    %dma_wait3A_159 = arith.constant 0 : i32
    %dma_wait3A_160 = tpu.memref_slice %arg6[%dma_wait3A_147, %dma_wait3A_158, %dma_wait3A_159] : memref<4x256x64xf32, #tpu.memory_space<vmem>> -> memref<1x256x64xf32, #tpu.memory_space<vmem>>
    %dma_wait3A_161 = tpu.memref_squeeze %dma_wait3A_160 : memref<1x256x64xf32, #tpu.memory_space<vmem>> -> memref<256x64xf32, #tpu.memory_space<vmem>>
    %dma_wait3A_162 = arith.constant 0 : i32
    %dma_wait3A_163 = arith.constant 0 : i32
    %dma_wait3A_164 = tpu.memref_slice %arg4[%dma_wait3A_162, %dma_wait3A_163] : memref<425984x64xf32, #tpu.memory_space<hbm>> -> memref<256x64xf32, #tpu.memory_space<hbm>>
    tpu.wait_dma2 semaphore(%dma_wait3A_157 : memref<!tpu.dma_semaphore, #tpu.memory_space<semaphore_mem>>) src(%dma_wait3A_164 : memref<256x64xf32, #tpu.memory_space<hbm>>) dst(%dma_wait3A_161 : memref<256x64xf32, #tpu.memory_space<vmem>>)
    %add3A_165 = arith.constant 49 : i32
    %add3A_166 = arith.addi %mul3A_2, %add3A_165 : i32
    %mul3A_167 = arith.constant 256 : i32
    %mul3A_168 = arith.muli %add3A_166, %mul3A_167 : i32
    %multiple_of3A_169 = tpu.assume_multiple %mul3A_168, 256 : i32
    %run_scoped3A_170 = arith.constant 1 : i32
    "tpu.region"() ({
      %run_scoped3A_219 = tpu.sem_alloc : memref<!tpu.dma_semaphore, #tpu.memory_space<semaphore_mem>>
      %dma_start3A_220 = arith.constant 0 : i32
      %dma_start3A_221 = arith.constant 0 : i32
      %dma_start3A_222 = tpu.memref_slice %arg6[%run_scoped3A_170, %dma_start3A_220, %dma_start3A_221] : memref<4x256x64xf32, #tpu.memory_space<vmem>> -> memref<1x256x64xf32, #tpu.memory_space<vmem>>
      %dma_start3A_223 = tpu.memref_squeeze %dma_start3A_222 : memref<1x256x64xf32, #tpu.memory_space<vmem>> -> memref<256x64xf32, #tpu.memory_space<vmem>>
      %dma_start3A_224 = arith.constant 0 : i32
      %dma_start3A_225 = tpu.memref_slice %arg4[%multiple_of3A_169, %dma_start3A_224] : memref<425984x64xf32, #tpu.memory_space<hbm>> -> memref<256x64xf32, #tpu.memory_space<hbm>>
      %dma_start3A_226 = arith.constant 0 : i32
      %dma_start3A_227 = tpu.memref_slice %arg4[%multiple_of3A_169, %dma_start3A_226] : memref<425984x64xf32, #tpu.memory_space<hbm>> -> memref<256x64xf32, #tpu.memory_space<hbm>>
      %dma_start3A_228 = arith.constant 0 : i32
      %dma_start3A_229 = arith.constant 0 : i32
      %dma_start3A_230 = tpu.memref_slice %arg6[%run_scoped3A_170, %dma_start3A_228, %dma_start3A_229] : memref<4x256x64xf32, #tpu.memory_space<vmem>> -> memref<1x256x64xf32, #tpu.memory_space<vmem>>
      %dma_start3A_231 = tpu.memref_squeeze %dma_start3A_230 : memref<1x256x64xf32, #tpu.memory_space<vmem>> -> memref<256x64xf32, #tpu.memory_space<vmem>>
      tpu.enqueue_dma source(%dma_start3A_231 : memref<256x64xf32, #tpu.memory_space<vmem>>) target(%dma_start3A_227 : memref<256x64xf32, #tpu.memory_space<hbm>>) target_semaphore(%run_scoped3A_219 : memref<!tpu.dma_semaphore, #tpu.memory_space<semaphore_mem>>)
      %dma_wait3A_232 = arith.constant 0 : i32
      %dma_wait3A_233 = arith.constant 0 : i32
      %dma_wait3A_234 = tpu.memref_slice %arg6[%run_scoped3A_170, %dma_wait3A_232, %dma_wait3A_233] : memref<4x256x64xf32, #tpu.memory_space<vmem>> -> memref<1x256x64xf32, #tpu.memory_space<vmem>>
      %dma_wait3A_235 = tpu.memref_squeeze %dma_wait3A_234 : memref<1x256x64xf32, #tpu.memory_space<vmem>> -> memref<256x64xf32, #tpu.memory_space<vmem>>
      %dma_wait3A_236 = arith.constant 0 : i32
      %dma_wait3A_237 = tpu.memref_slice %arg4[%multiple_of3A_169, %dma_wait3A_236] : memref<425984x64xf32, #tpu.memory_space<hbm>> -> memref<256x64xf32, #tpu.memory_space<hbm>>
      %dma_wait3A_238 = arith.constant 0 : i32
      %dma_wait3A_239 = tpu.memref_slice %arg4[%multiple_of3A_169, %dma_wait3A_238] : memref<425984x64xf32, #tpu.memory_space<hbm>> -> memref<256x64xf32, #tpu.memory_space<hbm>>
      %dma_wait3A_240 = arith.constant 0 : i32
      %dma_wait3A_241 = arith.constant 0 : i32
      %dma_wait3A_242 = tpu.memref_slice %arg6[%run_scoped3A_170, %dma_wait3A_240, %dma_wait3A_241] : memref<4x256x64xf32, #tpu.memory_space<vmem>> -> memref<1x256x64xf32, #tpu.memory_space<vmem>>
      %dma_wait3A_243 = tpu.memref_squeeze %dma_wait3A_242 : memref<1x256x64xf32, #tpu.memory_space<vmem>> -> memref<256x64xf32, #tpu.memory_space<vmem>>
      tpu.wait_dma2 semaphore(%run_scoped3A_219 : memref<!tpu.dma_semaphore, #tpu.memory_space<semaphore_mem>>) src(%dma_wait3A_243 : memref<256x64xf32, #tpu.memory_space<vmem>>) dst(%dma_wait3A_239 : memref<256x64xf32, #tpu.memory_space<hbm>>)
      tpu.yield
    }) : () -> ()
    %dma_wait3A_171 = arith.constant 2 : i32
    %dma_wait3A_172 = arith.constant 2 : i32
    %dma_wait3A_173 = arith.constant 0 : i32
    %dma_wait3A_174 = arith.constant 0 : i32
    %dma_wait3A_175 = tpu.memref_slice %arg6[%dma_wait3A_171, %dma_wait3A_173, %dma_wait3A_174] : memref<4x256x64xf32, #tpu.memory_space<vmem>> -> memref<1x256x64xf32, #tpu.memory_space<vmem>>
    %dma_wait3A_176 = tpu.memref_squeeze %dma_wait3A_175 : memref<1x256x64xf32, #tpu.memory_space<vmem>> -> memref<256x64xf32, #tpu.memory_space<vmem>>
    %dma_wait3A_177 = arith.constant 0 : i32
    %dma_wait3A_178 = arith.constant 0 : i32
    %dma_wait3A_179 = tpu.memref_slice %arg4[%dma_wait3A_177, %dma_wait3A_178] : memref<425984x64xf32, #tpu.memory_space<hbm>> -> memref<256x64xf32, #tpu.memory_space<hbm>>
    %dma_wait3A_180 = tpu.memref_slice %arg7[%dma_wait3A_172] : memref<4x!tpu.dma_semaphore, #tpu.memory_space<semaphore_mem>> -> memref<1x!tpu.dma_semaphore, #tpu.memory_space<semaphore_mem>>
    %dma_wait3A_181 = tpu.memref_squeeze %dma_wait3A_180 : memref<1x!tpu.dma_semaphore, #tpu.memory_space<semaphore_mem>> -> memref<!tpu.dma_semaphore, #tpu.memory_space<semaphore_mem>>
    %dma_wait3A_182 = arith.constant 0 : i32
    %dma_wait3A_183 = arith.constant 0 : i32
    %dma_wait3A_184 = tpu.memref_slice %arg6[%dma_wait3A_171, %dma_wait3A_182, %dma_wait3A_183] : memref<4x256x64xf32, #tpu.memory_space<vmem>> -> memref<1x256x64xf32, #tpu.memory_space<vmem>>
    %dma_wait3A_185 = tpu.memref_squeeze %dma_wait3A_184 : memref<1x256x64xf32, #tpu.memory_space<vmem>> -> memref<256x64xf32, #tpu.memory_space<vmem>>
    %dma_wait3A_186 = arith.constant 0 : i32
    %dma_wait3A_187 = arith.constant 0 : i32
    %dma_wait3A_188 = tpu.memref_slice %arg4[%dma_wait3A_186, %dma_wait3A_187] : memref<425984x64xf32, #tpu.memory_space<hbm>> -> memref<256x64xf32, #tpu.memory_space<hbm>>
    tpu.wait_dma2 semaphore(%dma_wait3A_181 : memref<!tpu.dma_semaphore, #tpu.memory_space<semaphore_mem>>) src(%dma_wait3A_188 : memref<256x64xf32, #tpu.memory_space<hbm>>) dst(%dma_wait3A_185 : memref<256x64xf32, #tpu.memory_space<vmem>>)
    %add3A_189 = arith.constant 50 : i32
    %add3A_190 = arith.addi %mul3A_2, %add3A_189 : i32
    %mul3A_191 = arith.constant 256 : i32
    %mul3A_192 = arith.muli %add3A_190, %mul3A_191 : i32
    %multiple_of3A_193 = tpu.assume_multiple %mul3A_192, 256 : i32
    %run_scoped3A_194 = arith.constant 2 : i32
    "tpu.region"() ({
      %run_scoped3A_219 = tpu.sem_alloc : memref<!tpu.dma_semaphore, #tpu.memory_space<semaphore_mem>>
      %dma_start3A_220 = arith.constant 0 : i32
      %dma_start3A_221 = arith.constant 0 : i32
      %dma_start3A_222 = tpu.memref_slice %arg6[%run_scoped3A_194, %dma_start3A_220, %dma_start3A_221] : memref<4x256x64xf32, #tpu.memory_space<vmem>> -> memref<1x256x64xf32, #tpu.memory_space<vmem>>
      %dma_start3A_223 = tpu.memref_squeeze %dma_start3A_222 : memref<1x256x64xf32, #tpu.memory_space<vmem>> -> memref<256x64xf32, #tpu.memory_space<vmem>>
      %dma_start3A_224 = arith.constant 0 : i32
      %dma_start3A_225 = tpu.memref_slice %arg4[%multiple_of3A_193, %dma_start3A_224] : memref<425984x64xf32, #tpu.memory_space<hbm>> -> memref<256x64xf32, #tpu.memory_space<hbm>>
      %dma_start3A_226 = arith.constant 0 : i32
      %dma_start3A_227 = tpu.memref_slice %arg4[%multiple_of3A_193, %dma_start3A_226] : memref<425984x64xf32, #tpu.memory_space<hbm>> -> memref<256x64xf32, #tpu.memory_space<hbm>>
      %dma_start3A_228 = arith.constant 0 : i32
      %dma_start3A_229 = arith.constant 0 : i32
      %dma_start3A_230 = tpu.memref_slice %arg6[%run_scoped3A_194, %dma_start3A_228, %dma_start3A_229] : memref<4x256x64xf32, #tpu.memory_space<vmem>> -> memref<1x256x64xf32, #tpu.memory_space<vmem>>
      %dma_start3A_231 = tpu.memref_squeeze %dma_start3A_230 : memref<1x256x64xf32, #tpu.memory_space<vmem>> -> memref<256x64xf32, #tpu.memory_space<vmem>>
      tpu.enqueue_dma source(%dma_start3A_231 : memref<256x64xf32, #tpu.memory_space<vmem>>) target(%dma_start3A_227 : memref<256x64xf32, #tpu.memory_space<hbm>>) target_semaphore(%run_scoped3A_219 : memref<!tpu.dma_semaphore, #tpu.memory_space<semaphore_mem>>)
      %dma_wait3A_232 = arith.constant 0 : i32
      %dma_wait3A_233 = arith.constant 0 : i32
      %dma_wait3A_234 = tpu.memref_slice %arg6[%run_scoped3A_194, %dma_wait3A_232, %dma_wait3A_233] : memref<4x256x64xf32, #tpu.memory_space<vmem>> -> memref<1x256x64xf32, #tpu.memory_space<vmem>>
      %dma_wait3A_235 = tpu.memref_squeeze %dma_wait3A_234 : memref<1x256x64xf32, #tpu.memory_space<vmem>> -> memref<256x64xf32, #tpu.memory_space<vmem>>
      %dma_wait3A_236 = arith.constant 0 : i32
      %dma_wait3A_237 = tpu.memref_slice %arg4[%multiple_of3A_193, %dma_wait3A_236] : memref<425984x64xf32, #tpu.memory_space<hbm>> -> memref<256x64xf32, #tpu.memory_space<hbm>>
      %dma_wait3A_238 = arith.constant 0 : i32
      %dma_wait3A_239 = tpu.memref_slice %arg4[%multiple_of3A_193, %dma_wait3A_238] : memref<425984x64xf32, #tpu.memory_space<hbm>> -> memref<256x64xf32, #tpu.memory_space<hbm>>
      %dma_wait3A_240 = arith.constant 0 : i32
      %dma_wait3A_241 = arith.constant 0 : i32
      %dma_wait3A_242 = tpu.memref_slice %arg6[%run_scoped3A_194, %dma_wait3A_240, %dma_wait3A_241] : memref<4x256x64xf32, #tpu.memory_space<vmem>> -> memref<1x256x64xf32, #tpu.memory_space<vmem>>
      %dma_wait3A_243 = tpu.memref_squeeze %dma_wait3A_242 : memref<1x256x64xf32, #tpu.memory_space<vmem>> -> memref<256x64xf32, #tpu.memory_space<vmem>>
      tpu.wait_dma2 semaphore(%run_scoped3A_219 : memref<!tpu.dma_semaphore, #tpu.memory_space<semaphore_mem>>) src(%dma_wait3A_243 : memref<256x64xf32, #tpu.memory_space<vmem>>) dst(%dma_wait3A_239 : memref<256x64xf32, #tpu.memory_space<hbm>>)
      tpu.yield
    }) : () -> ()
    %dma_wait3A_195 = arith.constant 3 : i32
    %dma_wait3A_196 = arith.constant 3 : i32
    %dma_wait3A_197 = arith.constant 0 : i32
    %dma_wait3A_198 = arith.constant 0 : i32
    %dma_wait3A_199 = tpu.memref_slice %arg6[%dma_wait3A_195, %dma_wait3A_197, %dma_wait3A_198] : memref<4x256x64xf32, #tpu.memory_space<vmem>> -> memref<1x256x64xf32, #tpu.memory_space<vmem>>
    %dma_wait3A_200 = tpu.memref_squeeze %dma_wait3A_199 : memref<1x256x64xf32, #tpu.memory_space<vmem>> -> memref<256x64xf32, #tpu.memory_space<vmem>>
    %dma_wait3A_201 = arith.constant 0 : i32
    %dma_wait3A_202 = arith.constant 0 : i32
    %dma_wait3A_203 = tpu.memref_slice %arg4[%dma_wait3A_201, %dma_wait3A_202] : memref<425984x64xf32, #tpu.memory_space<hbm>> -> memref<256x64xf32, #tpu.memory_space<hbm>>
    %dma_wait3A_204 = tpu.memref_slice %arg7[%dma_wait3A_196] : memref<4x!tpu.dma_semaphore, #tpu.memory_space<semaphore_mem>> -> memref<1x!tpu.dma_semaphore, #tpu.memory_space<semaphore_mem>>
    %dma_wait3A_205 = tpu.memref_squeeze %dma_wait3A_204 : memref<1x!tpu.dma_semaphore, #tpu.memory_space<semaphore_mem>> -> memref<!tpu.dma_semaphore, #tpu.memory_space<semaphore_mem>>
    %dma_wait3A_206 = arith.constant 0 : i32
    %dma_wait3A_207 = arith.constant 0 : i32
    %dma_wait3A_208 = tpu.memref_slice %arg6[%dma_wait3A_195, %dma_wait3A_206, %dma_wait3A_207] : memref<4x256x64xf32, #tpu.memory_space<vmem>> -> memref<1x256x64xf32, #tpu.memory_space<vmem>>
    %dma_wait3A_209 = tpu.memref_squeeze %dma_wait3A_208 : memref<1x256x64xf32, #tpu.memory_space<vmem>> -> memref<256x64xf32, #tpu.memory_space<vmem>>
    %dma_wait3A_210 = arith.constant 0 : i32
    %dma_wait3A_211 = arith.constant 0 : i32
    %dma_wait3A_212 = tpu.memref_slice %arg4[%dma_wait3A_210, %dma_wait3A_211] : memref<425984x64xf32, #tpu.memory_space<hbm>> -> memref<256x64xf32, #tpu.memory_space<hbm>>
    tpu.wait_dma2 semaphore(%dma_wait3A_205 : memref<!tpu.dma_semaphore, #tpu.memory_space<semaphore_mem>>) src(%dma_wait3A_212 : memref<256x64xf32, #tpu.memory_space<hbm>>) dst(%dma_wait3A_209 : memref<256x64xf32, #tpu.memory_space<vmem>>)
    %add3A_213 = arith.constant 51 : i32
    %add3A_214 = arith.addi %mul3A_2, %add3A_213 : i32
    %mul3A_215 = arith.constant 256 : i32
    %mul3A_216 = arith.muli %add3A_214, %mul3A_215 : i32
    %multiple_of3A_217 = tpu.assume_multiple %mul3A_216, 256 : i32
    %run_scoped3A_218 = arith.constant 3 : i32
    "tpu.region"() ({
      %run_scoped3A_219 = tpu.sem_alloc : memref<!tpu.dma_semaphore, #tpu.memory_space<semaphore_mem>>
      %dma_start3A_220 = arith.constant 0 : i32
      %dma_start3A_221 = arith.constant 0 : i32
      %dma_start3A_222 = tpu.memref_slice %arg6[%run_scoped3A_218, %dma_start3A_220, %dma_start3A_221] : memref<4x256x64xf32, #tpu.memory_space<vmem>> -> memref<1x256x64xf32, #tpu.memory_space<vmem>>
      %dma_start3A_223 = tpu.memref_squeeze %dma_start3A_222 : memref<1x256x64xf32, #tpu.memory_space<vmem>> -> memref<256x64xf32, #tpu.memory_space<vmem>>
      %dma_start3A_224 = arith.constant 0 : i32
      %dma_start3A_225 = tpu.memref_slice %arg4[%multiple_of3A_217, %dma_start3A_224] : memref<425984x64xf32, #tpu.memory_space<hbm>> -> memref<256x64xf32, #tpu.memory_space<hbm>>
      %dma_start3A_226 = arith.constant 0 : i32
      %dma_start3A_227 = tpu.memref_slice %arg4[%multiple_of3A_217, %dma_start3A_226] : memref<425984x64xf32, #tpu.memory_space<hbm>> -> memref<256x64xf32, #tpu.memory_space<hbm>>
      %dma_start3A_228 = arith.constant 0 : i32
      %dma_start3A_229 = arith.constant 0 : i32
      %dma_start3A_230 = tpu.memref_slice %arg6[%run_scoped3A_218, %dma_start3A_228, %dma_start3A_229] : memref<4x256x64xf32, #tpu.memory_space<vmem>> -> memref<1x256x64xf32, #tpu.memory_space<vmem>>
      %dma_start3A_231 = tpu.memref_squeeze %dma_start3A_230 : memref<1x256x64xf32, #tpu.memory_space<vmem>> -> memref<256x64xf32, #tpu.memory_space<vmem>>
      tpu.enqueue_dma source(%dma_start3A_231 : memref<256x64xf32, #tpu.memory_space<vmem>>) target(%dma_start3A_227 : memref<256x64xf32, #tpu.memory_space<hbm>>) target_semaphore(%run_scoped3A_219 : memref<!tpu.dma_semaphore, #tpu.memory_space<semaphore_mem>>)
      %dma_wait3A_232 = arith.constant 0 : i32
      %dma_wait3A_233 = arith.constant 0 : i32
      %dma_wait3A_234 = tpu.memref_slice %arg6[%run_scoped3A_218, %dma_wait3A_232, %dma_wait3A_233] : memref<4x256x64xf32, #tpu.memory_space<vmem>> -> memref<1x256x64xf32, #tpu.memory_space<vmem>>
      %dma_wait3A_235 = tpu.memref_squeeze %dma_wait3A_234 : memref<1x256x64xf32, #tpu.memory_space<vmem>> -> memref<256x64xf32, #tpu.memory_space<vmem>>
      %dma_wait3A_236 = arith.constant 0 : i32
      %dma_wait3A_237 = tpu.memref_slice %arg4[%multiple_of3A_217, %dma_wait3A_236] : memref<425984x64xf32, #tpu.memory_space<hbm>> -> memref<256x64xf32, #tpu.memory_space<hbm>>
      %dma_wait3A_238 = arith.constant 0 : i32
      %dma_wait3A_239 = tpu.memref_slice %arg4[%multiple_of3A_217, %dma_wait3A_238] : memref<425984x64xf32, #tpu.memory_space<hbm>> -> memref<256x64xf32, #tpu.memory_space<hbm>>
      %dma_wait3A_240 = arith.constant 0 : i32
      %dma_wait3A_241 = arith.constant 0 : i32
      %dma_wait3A_242 = tpu.memref_slice %arg6[%run_scoped3A_218, %dma_wait3A_240, %dma_wait3A_241] : memref<4x256x64xf32, #tpu.memory_space<vmem>> -> memref<1x256x64xf32, #tpu.memory_space<vmem>>
      %dma_wait3A_243 = tpu.memref_squeeze %dma_wait3A_242 : memref<1x256x64xf32, #tpu.memory_space<vmem>> -> memref<256x64xf32, #tpu.memory_space<vmem>>
      tpu.wait_dma2 semaphore(%run_scoped3A_219 : memref<!tpu.dma_semaphore, #tpu.memory_space<semaphore_mem>>) src(%dma_wait3A_243 : memref<256x64xf32, #tpu.memory_space<vmem>>) dst(%dma_wait3A_239 : memref<256x64xf32, #tpu.memory_space<hbm>>)
      tpu.yield
    }) : () -> ()
    return
  }
}

module attributes {stable_mosaic.version = 14 : i64} {
  func.func @_pack_body(%arg0: i32, %arg1: memref<1250x2x8x64xf32, #tpu.memory_space<vmem>>, %arg2: memref<1250x8x128xf32, #tpu.memory_space<vmem>>) attributes {dimension_semantics = [#tpu.dimension_semantics<arbitrary>], iteration_bounds = array<i64: 50>, scalar_prefetch = 0 : i64, scratch_operands = 0 : i64, tpu.core_type = #tpu.core_type<tc>, window_params = [{transform_indices = @transform_0, window_bounds = array<i64: 1250, 2, 8, 64>}, {transform_indices = @transform_1, window_bounds = array<i64: 1250, 8, 128>}]} {
    %get3A = arith.constant 0 : index
    %get3A_0 = arith.constant 0 : index
    %get3A_1 = arith.constant 0 : index
    %get3A_2 = arith.constant 0 : index
    %get3A_3 = vector.load %arg1[%get3A, %get3A_0, %get3A_1, %get3A_2] : memref<1250x2x8x64xf32, #tpu.memory_space<vmem>>, vector<1250x2x8x64xf32>
    %slice3A = vector.extract_strided_slice %get3A_3 {offsets = [0, 0, 0, 0], sizes = [1250, 1, 1, 64], strides = [1, 1, 1, 1]} : vector<1250x2x8x64xf32> to vector<1250x1x1x64xf32>
    %squeeze3A = vector.shape_cast %slice3A : vector<1250x1x1x64xf32> to vector<1250x64xf32>
    %swap3A = arith.constant 0 : index
    %swap3A_4 = arith.constant 0 : index
    %swap3A_5 = arith.constant 0 : index
    %swap3A_6 = vector.load %arg2[%swap3A, %swap3A_4, %swap3A_5] : memref<1250x8x128xf32, #tpu.memory_space<vmem>>, vector<1250x1x64xf32>
    %swap3A_7 = vector.shape_cast %swap3A_6 : vector<1250x1x64xf32> to vector<1250x64xf32>
    %swap3A_8 = vector.shape_cast %squeeze3A : vector<1250x64xf32> to vector<1250x1x64xf32>
    tpu.vector_store %arg2[%swap3A, %swap3A_4, %swap3A_5], %swap3A_8 {strides = array<i32>} : memref<1250x8x128xf32, #tpu.memory_space<vmem>>, vector<1250x1x64xf32>,
    %slice3A_9 = vector.extract_strided_slice %get3A_3 {offsets = [0, 0, 1, 0], sizes = [1250, 1, 1, 64], strides = [1, 1, 1, 1]} : vector<1250x2x8x64xf32> to vector<1250x1x1x64xf32>
    %squeeze3A_10 = vector.shape_cast %slice3A_9 : vector<1250x1x1x64xf32> to vector<1250x64xf32>
    %swap3A_11 = arith.constant 0 : index
    %swap3A_12 = arith.constant 0 : index
    %swap3A_13 = arith.constant 64 : index
    %swap3A_14 = vector.load %arg2[%swap3A_11, %swap3A_12, %swap3A_13] : memref<1250x8x128xf32, #tpu.memory_space<vmem>>, vector<1250x1x64xf32>
    %swap3A_15 = vector.shape_cast %swap3A_14 : vector<1250x1x64xf32> to vector<1250x64xf32>
    %swap3A_16 = vector.shape_cast %squeeze3A_10 : vector<1250x64xf32> to vector<1250x1x64xf32>
    tpu.vector_store %arg2[%swap3A_11, %swap3A_12, %swap3A_13], %swap3A_16 {strides = array<i32>} : memref<1250x8x128xf32, #tpu.memory_space<vmem>>, vector<1250x1x64xf32>,
    %slice3A_17 = vector.extract_strided_slice %get3A_3 {offsets = [0, 0, 2, 0], sizes = [1250, 1, 1, 64], strides = [1, 1, 1, 1]} : vector<1250x2x8x64xf32> to vector<1250x1x1x64xf32>
    %squeeze3A_18 = vector.shape_cast %slice3A_17 : vector<1250x1x1x64xf32> to vector<1250x64xf32>
    %swap3A_19 = arith.constant 0 : index
    %swap3A_20 = arith.constant 1 : index
    %swap3A_21 = arith.constant 0 : index
    %swap3A_22 = vector.load %arg2[%swap3A_19, %swap3A_20, %swap3A_21] : memref<1250x8x128xf32, #tpu.memory_space<vmem>>, vector<1250x1x64xf32>
    %swap3A_23 = vector.shape_cast %swap3A_22 : vector<1250x1x64xf32> to vector<1250x64xf32>
    %swap3A_24 = vector.shape_cast %squeeze3A_18 : vector<1250x64xf32> to vector<1250x1x64xf32>
    tpu.vector_store %arg2[%swap3A_19, %swap3A_20, %swap3A_21], %swap3A_24 {strides = array<i32>} : memref<1250x8x128xf32, #tpu.memory_space<vmem>>, vector<1250x1x64xf32>,
    %slice3A_25 = vector.extract_strided_slice %get3A_3 {offsets = [0, 0, 3, 0], sizes = [1250, 1, 1, 64], strides = [1, 1, 1, 1]} : vector<1250x2x8x64xf32> to vector<1250x1x1x64xf32>
    %squeeze3A_26 = vector.shape_cast %slice3A_25 : vector<1250x1x1x64xf32> to vector<1250x64xf32>
    %swap3A_27 = arith.constant 0 : index
    %swap3A_28 = arith.constant 1 : index
    %swap3A_29 = arith.constant 64 : index
    %swap3A_30 = vector.load %arg2[%swap3A_27, %swap3A_28, %swap3A_29] : memref<1250x8x128xf32, #tpu.memory_space<vmem>>, vector<1250x1x64xf32>
    %swap3A_31 = vector.shape_cast %swap3A_30 : vector<1250x1x64xf32> to vector<1250x64xf32>
    %swap3A_32 = vector.shape_cast %squeeze3A_26 : vector<1250x64xf32> to vector<1250x1x64xf32>
    tpu.vector_store %arg2[%swap3A_27, %swap3A_28, %swap3A_29], %swap3A_32 {strides = array<i32>} : memref<1250x8x128xf32, #tpu.memory_space<vmem>>, vector<1250x1x64xf32>,
    %slice3A_33 = vector.extract_strided_slice %get3A_3 {offsets = [0, 0, 4, 0], sizes = [1250, 1, 1, 64], strides = [1, 1, 1, 1]} : vector<1250x2x8x64xf32> to vector<1250x1x1x64xf32>
    %squeeze3A_34 = vector.shape_cast %slice3A_33 : vector<1250x1x1x64xf32> to vector<1250x64xf32>
    %swap3A_35 = arith.constant 0 : index
    %swap3A_36 = arith.constant 2 : index
    %swap3A_37 = arith.constant 0 : index
    %swap3A_38 = vector.load %arg2[%swap3A_35, %swap3A_36, %swap3A_37] : memref<1250x8x128xf32, #tpu.memory_space<vmem>>, vector<1250x1x64xf32>
    %swap3A_39 = vector.shape_cast %swap3A_38 : vector<1250x1x64xf32> to vector<1250x64xf32>
    %swap3A_40 = vector.shape_cast %squeeze3A_34 : vector<1250x64xf32> to vector<1250x1x64xf32>
    tpu.vector_store %arg2[%swap3A_35, %swap3A_36, %swap3A_37], %swap3A_40 {strides = array<i32>} : memref<1250x8x128xf32, #tpu.memory_space<vmem>>, vector<1250x1x64xf32>,
    %slice3A_41 = vector.extract_strided_slice %get3A_3 {offsets = [0, 0, 5, 0], sizes = [1250, 1, 1, 64], strides = [1, 1, 1, 1]} : vector<1250x2x8x64xf32> to vector<1250x1x1x64xf32>
    %squeeze3A_42 = vector.shape_cast %slice3A_41 : vector<1250x1x1x64xf32> to vector<1250x64xf32>
    %swap3A_43 = arith.constant 0 : index
    %swap3A_44 = arith.constant 2 : index
    %swap3A_45 = arith.constant 64 : index
    %swap3A_46 = vector.load %arg2[%swap3A_43, %swap3A_44, %swap3A_45] : memref<1250x8x128xf32, #tpu.memory_space<vmem>>, vector<1250x1x64xf32>
    %swap3A_47 = vector.shape_cast %swap3A_46 : vector<1250x1x64xf32> to vector<1250x64xf32>
    %swap3A_48 = vector.shape_cast %squeeze3A_42 : vector<1250x64xf32> to vector<1250x1x64xf32>
    tpu.vector_store %arg2[%swap3A_43, %swap3A_44, %swap3A_45], %swap3A_48 {strides = array<i32>} : memref<1250x8x128xf32, #tpu.memory_space<vmem>>, vector<1250x1x64xf32>,
    %slice3A_49 = vector.extract_strided_slice %get3A_3 {offsets = [0, 0, 6, 0], sizes = [1250, 1, 1, 64], strides = [1, 1, 1, 1]} : vector<1250x2x8x64xf32> to vector<1250x1x1x64xf32>
    %squeeze3A_50 = vector.shape_cast %slice3A_49 : vector<1250x1x1x64xf32> to vector<1250x64xf32>
    %swap3A_51 = arith.constant 0 : index
    %swap3A_52 = arith.constant 3 : index
    %swap3A_53 = arith.constant 0 : index
    %swap3A_54 = vector.load %arg2[%swap3A_51, %swap3A_52, %swap3A_53] : memref<1250x8x128xf32, #tpu.memory_space<vmem>>, vector<1250x1x64xf32>
    %swap3A_55 = vector.shape_cast %swap3A_54 : vector<1250x1x64xf32> to vector<1250x64xf32>
    %swap3A_56 = vector.shape_cast %squeeze3A_50 : vector<1250x64xf32> to vector<1250x1x64xf32>
    tpu.vector_store %arg2[%swap3A_51, %swap3A_52, %swap3A_53], %swap3A_56 {strides = array<i32>} : memref<1250x8x128xf32, #tpu.memory_space<vmem>>, vector<1250x1x64xf32>,
    %slice3A_57 = vector.extract_strided_slice %get3A_3 {offsets = [0, 0, 7, 0], sizes = [1250, 1, 1, 64], strides = [1, 1, 1, 1]} : vector<1250x2x8x64xf32> to vector<1250x1x1x64xf32>
    %squeeze3A_58 = vector.shape_cast %slice3A_57 : vector<1250x1x1x64xf32> to vector<1250x64xf32>
    %swap3A_59 = arith.constant 0 : index
    %swap3A_60 = arith.constant 3 : index
    %swap3A_61 = arith.constant 64 : index
    %swap3A_62 = vector.load %arg2[%swap3A_59, %swap3A_60, %swap3A_61] : memref<1250x8x128xf32, #tpu.memory_space<vmem>>, vector<1250x1x64xf32>
    %swap3A_63 = vector.shape_cast %swap3A_62 : vector<1250x1x64xf32> to vector<1250x64xf32>
    %swap3A_64 = vector.shape_cast %squeeze3A_58 : vector<1250x64xf32> to vector<1250x1x64xf32>
    tpu.vector_store %arg2[%swap3A_59, %swap3A_60, %swap3A_61], %swap3A_64 {strides = array<i32>} : memref<1250x8x128xf32, #tpu.memory_space<vmem>>, vector<1250x1x64xf32>,
    %slice3A_65 = vector.extract_strided_slice %get3A_3 {offsets = [0, 1, 0, 0], sizes = [1250, 1, 1, 64], strides = [1, 1, 1, 1]} : vector<1250x2x8x64xf32> to vector<1250x1x1x64xf32>
    %squeeze3A_66 = vector.shape_cast %slice3A_65 : vector<1250x1x1x64xf32> to vector<1250x64xf32>
    %swap3A_67 = arith.constant 0 : index
    %swap3A_68 = arith.constant 4 : index
    %swap3A_69 = arith.constant 0 : index
    %swap3A_70 = vector.load %arg2[%swap3A_67, %swap3A_68, %swap3A_69] : memref<1250x8x128xf32, #tpu.memory_space<vmem>>, vector<1250x1x64xf32>
    %swap3A_71 = vector.shape_cast %swap3A_70 : vector<1250x1x64xf32> to vector<1250x64xf32>
    %swap3A_72 = vector.shape_cast %squeeze3A_66 : vector<1250x64xf32> to vector<1250x1x64xf32>
    tpu.vector_store %arg2[%swap3A_67, %swap3A_68, %swap3A_69], %swap3A_72 {strides = array<i32>} : memref<1250x8x128xf32, #tpu.memory_space<vmem>>, vector<1250x1x64xf32>,
    %slice3A_73 = vector.extract_strided_slice %get3A_3 {offsets = [0, 1, 1, 0], sizes = [1250, 1, 1, 64], strides = [1, 1, 1, 1]} : vector<1250x2x8x64xf32> to vector<1250x1x1x64xf32>
    %squeeze3A_74 = vector.shape_cast %slice3A_73 : vector<1250x1x1x64xf32> to vector<1250x64xf32>
    %swap3A_75 = arith.constant 0 : index
    %swap3A_76 = arith.constant 4 : index
    %swap3A_77 = arith.constant 64 : index
    %swap3A_78 = vector.load %arg2[%swap3A_75, %swap3A_76, %swap3A_77] : memref<1250x8x128xf32, #tpu.memory_space<vmem>>, vector<1250x1x64xf32>
    %swap3A_79 = vector.shape_cast %swap3A_78 : vector<1250x1x64xf32> to vector<1250x64xf32>
    %swap3A_80 = vector.shape_cast %squeeze3A_74 : vector<1250x64xf32> to vector<1250x1x64xf32>
    tpu.vector_store %arg2[%swap3A_75, %swap3A_76, %swap3A_77], %swap3A_80 {strides = array<i32>} : memref<1250x8x128xf32, #tpu.memory_space<vmem>>, vector<1250x1x64xf32>,
    %slice3A_81 = vector.extract_strided_slice %get3A_3 {offsets = [0, 1, 2, 0], sizes = [1250, 1, 1, 64], strides = [1, 1, 1, 1]} : vector<1250x2x8x64xf32> to vector<1250x1x1x64xf32>
    %squeeze3A_82 = vector.shape_cast %slice3A_81 : vector<1250x1x1x64xf32> to vector<1250x64xf32>
    %swap3A_83 = arith.constant 0 : index
    %swap3A_84 = arith.constant 5 : index
    %swap3A_85 = arith.constant 0 : index
    %swap3A_86 = vector.load %arg2[%swap3A_83, %swap3A_84, %swap3A_85] : memref<1250x8x128xf32, #tpu.memory_space<vmem>>, vector<1250x1x64xf32>
    %swap3A_87 = vector.shape_cast %swap3A_86 : vector<1250x1x64xf32> to vector<1250x64xf32>
    %swap3A_88 = vector.shape_cast %squeeze3A_82 : vector<1250x64xf32> to vector<1250x1x64xf32>
    tpu.vector_store %arg2[%swap3A_83, %swap3A_84, %swap3A_85], %swap3A_88 {strides = array<i32>} : memref<1250x8x128xf32, #tpu.memory_space<vmem>>, vector<1250x1x64xf32>,
    %slice3A_89 = vector.extract_strided_slice %get3A_3 {offsets = [0, 1, 3, 0], sizes = [1250, 1, 1, 64], strides = [1, 1, 1, 1]} : vector<1250x2x8x64xf32> to vector<1250x1x1x64xf32>
    %squeeze3A_90 = vector.shape_cast %slice3A_89 : vector<1250x1x1x64xf32> to vector<1250x64xf32>
    %swap3A_91 = arith.constant 0 : index
    %swap3A_92 = arith.constant 5 : index
    %swap3A_93 = arith.constant 64 : index
    %swap3A_94 = vector.load %arg2[%swap3A_91, %swap3A_92, %swap3A_93] : memref<1250x8x128xf32, #tpu.memory_space<vmem>>, vector<1250x1x64xf32>
    %swap3A_95 = vector.shape_cast %swap3A_94 : vector<1250x1x64xf32> to vector<1250x64xf32>
    %swap3A_96 = vector.shape_cast %squeeze3A_90 : vector<1250x64xf32> to vector<1250x1x64xf32>
    tpu.vector_store %arg2[%swap3A_91, %swap3A_92, %swap3A_93], %swap3A_96 {strides = array<i32>} : memref<1250x8x128xf32, #tpu.memory_space<vmem>>, vector<1250x1x64xf32>,
    %slice3A_97 = vector.extract_strided_slice %get3A_3 {offsets = [0, 1, 4, 0], sizes = [1250, 1, 1, 64], strides = [1, 1, 1, 1]} : vector<1250x2x8x64xf32> to vector<1250x1x1x64xf32>
    %squeeze3A_98 = vector.shape_cast %slice3A_97 : vector<1250x1x1x64xf32> to vector<1250x64xf32>
    %swap3A_99 = arith.constant 0 : index
    %swap3A_100 = arith.constant 6 : index
    %swap3A_101 = arith.constant 0 : index
    %swap3A_102 = vector.load %arg2[%swap3A_99, %swap3A_100, %swap3A_101] : memref<1250x8x128xf32, #tpu.memory_space<vmem>>, vector<1250x1x64xf32>
    %swap3A_103 = vector.shape_cast %swap3A_102 : vector<1250x1x64xf32> to vector<1250x64xf32>
    %swap3A_104 = vector.shape_cast %squeeze3A_98 : vector<1250x64xf32> to vector<1250x1x64xf32>
    tpu.vector_store %arg2[%swap3A_99, %swap3A_100, %swap3A_101], %swap3A_104 {strides = array<i32>} : memref<1250x8x128xf32, #tpu.memory_space<vmem>>, vector<1250x1x64xf32>,
    %slice3A_105 = vector.extract_strided_slice %get3A_3 {offsets = [0, 1, 5, 0], sizes = [1250, 1, 1, 64], strides = [1, 1, 1, 1]} : vector<1250x2x8x64xf32> to vector<1250x1x1x64xf32>
    %squeeze3A_106 = vector.shape_cast %slice3A_105 : vector<1250x1x1x64xf32> to vector<1250x64xf32>
    %swap3A_107 = arith.constant 0 : index
    %swap3A_108 = arith.constant 6 : index
    %swap3A_109 = arith.constant 64 : index
    %swap3A_110 = vector.load %arg2[%swap3A_107, %swap3A_108, %swap3A_109] : memref<1250x8x128xf32, #tpu.memory_space<vmem>>, vector<1250x1x64xf32>
    %swap3A_111 = vector.shape_cast %swap3A_110 : vector<1250x1x64xf32> to vector<1250x64xf32>
    %swap3A_112 = vector.shape_cast %squeeze3A_106 : vector<1250x64xf32> to vector<1250x1x64xf32>
    tpu.vector_store %arg2[%swap3A_107, %swap3A_108, %swap3A_109], %swap3A_112 {strides = array<i32>} : memref<1250x8x128xf32, #tpu.memory_space<vmem>>, vector<1250x1x64xf32>,
    %slice3A_113 = vector.extract_strided_slice %get3A_3 {offsets = [0, 1, 6, 0], sizes = [1250, 1, 1, 64], strides = [1, 1, 1, 1]} : vector<1250x2x8x64xf32> to vector<1250x1x1x64xf32>
    %squeeze3A_114 = vector.shape_cast %slice3A_113 : vector<1250x1x1x64xf32> to vector<1250x64xf32>
    %swap3A_115 = arith.constant 0 : index
    %swap3A_116 = arith.constant 7 : index
    %swap3A_117 = arith.constant 0 : index
    %swap3A_118 = vector.load %arg2[%swap3A_115, %swap3A_116, %swap3A_117] : memref<1250x8x128xf32, #tpu.memory_space<vmem>>, vector<1250x1x64xf32>
    %swap3A_119 = vector.shape_cast %swap3A_118 : vector<1250x1x64xf32> to vector<1250x64xf32>
    %swap3A_120 = vector.shape_cast %squeeze3A_114 : vector<1250x64xf32> to vector<1250x1x64xf32>
    tpu.vector_store %arg2[%swap3A_115, %swap3A_116, %swap3A_117], %swap3A_120 {strides = array<i32>} : memref<1250x8x128xf32, #tpu.memory_space<vmem>>, vector<1250x1x64xf32>,
    %slice3A_121 = vector.extract_strided_slice %get3A_3 {offsets = [0, 1, 7, 0], sizes = [1250, 1, 1, 64], strides = [1, 1, 1, 1]} : vector<1250x2x8x64xf32> to vector<1250x1x1x64xf32>
    %squeeze3A_122 = vector.shape_cast %slice3A_121 : vector<1250x1x1x64xf32> to vector<1250x64xf32>
    %swap3A_123 = arith.constant 0 : index
    %swap3A_124 = arith.constant 7 : index
    %swap3A_125 = arith.constant 64 : index
    %swap3A_126 = vector.load %arg2[%swap3A_123, %swap3A_124, %swap3A_125] : memref<1250x8x128xf32, #tpu.memory_space<vmem>>, vector<1250x1x64xf32>
    %swap3A_127 = vector.shape_cast %swap3A_126 : vector<1250x1x64xf32> to vector<1250x64xf32>
    %swap3A_128 = vector.shape_cast %squeeze3A_122 : vector<1250x64xf32> to vector<1250x1x64xf32>
    tpu.vector_store %arg2[%swap3A_123, %swap3A_124, %swap3A_125], %swap3A_128 {strides = array<i32>} : memref<1250x8x128xf32, #tpu.memory_space<vmem>>, vector<1250x1x64xf32>,
    return
  }
  func.func @transform_0(%arg0: i32) -> (i32, i32, i32, i32) {
    %c0_i32 = arith.constant 0 : i32
    %c0_i32_0 = arith.constant 0 : i32
    %c0_i32_1 = arith.constant 0 : i32
    %c0_i32_2 = arith.constant 0 : i32
    return %arg0, %c0_i32, %c0_i32_0, %c0_i32_1 : i32, i32, i32, i32
  }
  func.func @transform_1(%arg0: i32) -> (i32, i32, i32) {
    %c0_i32 = arith.constant 0 : i32
    %c0_i32_0 = arith.constant 0 : i32
    %c0_i32_1 = arith.constant 0 : i32
    return %arg0, %c0_i32, %c0_i32_0 : i32, i32, i32
  }
}

</mosaic_0001>

<sc_bundles>
// kernel: kernel.4.cloned.1.call-start
scs
__scs_entry_jumppad:
0x0: {  	(pc) =	sbr.rel $0x88, $3  }
0x1: {  	(tag) =	ssettag $0x0;
	lr =	simm.s32 $0x1  }
0x2: {  	[smem:$0x3F9F] =	sst lr;
	_ =	strace $0xD0000000  }
0x3: {  	_ = 	snop  }
0x4: {  	_ = 	snop  }
0x5: {  	_ = 	snop  }
0x6: {  	_ = 	snop  }
0x7: {  	_ = 	snop  }
__scs_overlays_trampoline_lowered:
0x8: {  	[smem:$0x3FAE] =	sst s0  }
0x9: {  	[smem:$0x3FAF] =	sst s1  }
0xa: {  	[smem:$0x3FB0] =	sst s2  }
0xb: {  	[smem:$0x3FB1] =	sst s3  }
0xc: {  	[smem:$0x3FB2] =	sst s4  }
0xd: {  	[smem:$0x3FB3] =	sst s5  }
0xe: {  	[smem:$0x3FB4] =	sst s6  }
0xf: {  	[smem:$0x3FB5] =	sst s7  }
0x10: {  	[smem:$0x3FB6] =	sst s8  }
0x11: {  	[smem:$0x3FB7] =	sst s9;
	s0 =	simm.s32 @!p0 $0x0  }
0x12: {  	s1 =	sld [smem:$0x3F9D];
	s0 =	simm.s32 @p0 $0x1  }
0x13: {  	[smem:$0x3FB8] =	sst s0;
	s0 =	simm.s32 @!p1 $0x0  }
0x14: {  	s2 =	sld [smem:$0x3F9C];
	s0 =	simm.s32 @p1 $0x1  }
0x15: {  	[smem:$0x3FB9] =	sst s0;
	s0 =	simm.s32 @!p2 $0x0  }
0x16: {  	s3 =	sld [smem:$0x3FDB];
	s0 =	simm.s32 @p2 $0x1  }
0x17: {  	s4 =	simm.s32 $0x1BF5;
	[smem:$0x3FBB] =	sst s0  }
0x18: {  	s0 =	sld [smem:$0x3F9E];
	_ =	swait.ge [sflag:s4], $0x0  }
0x19: {  	s7 =	sld [smem:$0x3F9F]  }
0x1a: {  	s8 =	sadd.s32 $0xFFFFE003, lr  }
0x1b: {  	s9 =	sadd.s32 $0xFFFFFEF7, lr;
	s5 =	simm.s32 $0xFFFFFFFF;
	p2 =	slt.u32 s8, $0xFFFFF086  }
0x1c: {  	p1 =	slt.u32 s9, $0xF7A;
	s5 =	simm.s32 @!p2 $0x0  }
0x1d: {  	s5 =	simm.s32 @p1 $0x1;
	p0 =	seq.s32 s7, s2  }
0x1e: {  	s7 =	smul.u32 @!p0 $0xF7A, s2;
	p2 =	seq.s32 @!p0 s5, $0x0  }
0x1f: {  	s9 =	smul.u32 $0xF7A, s1;
	s8 =	simm.s32 @!p0 $0x1BF5;
	p2 =	por !p2, p0  }
0x20: {  	[sflag:s8] =	ssyncset.s32 @!p0 $0xFFFFF086;
	s6 =	sadd.s32 @!p0 s3, s7;
	s7 =	simm.s32 @!p0 $0x108  }
0x21: {  	s3 =	sadd.s32 s3, s9;
	s6 =	sadd.s32 @!p0 $0x88, s6;
	s7 =	simm.s32 @p2 $0x1082  }
0x22: {  	[simem:s7], [sflag:s8] =	dma.local @!p0 [hbm:s6], $0xF7A  }
0x23: {  	s9 =	sor.u32 $0xD0000000, s2;
	s6 =	simm.s32 $0x108;
	_ =	swait.ge @!p0 [sflag:s8], $0x0  }
0x24: {  	s3 =	sadd.s32 $0x88, s3;
	s6 =	simm.s32 @!p1 $0x1082;
	[sflag:s4] =	ssyncset.s32 $0xFFFFF086  }
0x25: {  	[simem:s6], [sflag:s4] =	dma.local [hbm:s3], $0xF7A  }
0x26: {  	[smem:$0x3F9F] =	sst s1;
	(tag) =	ssettag s2;
	_ =	strace s9  }
0x27: {  	s1 =	sld [smem:$0x3FAF]  }
0x28: {  	s2 =	sld [smem:$0x3FB0]  }
0x29: {  	s4 =	sld [smem:$0x3FB2]  }
0x2a: {  	p0 =	seq.s32 s5, $0x0;
	s5 =	sld [smem:$0x3FB3]  }
0x2b: {  	s6 =	sld [smem:$0x3FB4]  }
0x2c: {  	s7 =	sld [smem:$0x3FB5]  }
0x2d: {  	s3 =	simm.s32 $0x108;
	s8 =	sld [smem:$0x3FB6]  }
0x2e: {  	s3 =	simm.s32 @!p0 $0x1082;
	s9 =	sld [smem:$0x3FB7]  }
0x2f: {  	lr =	sadd.s32 s0, s3;
	s0 =	sld [smem:$0x3FAE]  }
0x30: {  	s3 =	sld [smem:$0x3FB1]  }
0x31: {  	[smem:$0x3FBA] =	sst s10  }
0x32: {  	s10 =	sld [smem:$0x3FB8];
	_ =	sdelay $0x3  }
0x33: {  	p0 =	seq.s32 s10, $0x1;
	s10 =	sld [smem:$0x3FBA];
	_ =	sdelay $0x3  }
0x34: {  	[smem:$0x3FBA] =	sst s10  }
0x35: {  	s10 =	sld [smem:$0x3FB9];
	_ =	sdelay $0x3  }
0x36: {  	p1 =	seq.s32 s10, $0x1;
	s10 =	sld [smem:$0x3FBA];
	_ =	sdelay $0x3  }
0x37: {  	[smem:$0x3FBA] =	sst s10  }
0x38: {  	s10 =	sld [smem:$0x3FBB]  }
0x39: {  	_ = 	snop;
	(pc) =	sbr.ind lr, $3  }
0x3a: {  	_ = 	snop  }
0x3b: {  	_ = 	snop  }
0x3c: {  	p2 =	seq.s32 s10, $0x1;
	s10 =	sld [smem:$0x3FBA]  }
0x3d: {  	_ =	shalt  }
0x3e: {  	_ =	shalt  }
0x3f: {  	_ =	shalt  }
0x40: {  	_ =	shalt  }
0x41: {  	_ =	shalt  }
0x42: {  	_ =	shalt  }
0x43: {  	_ =	shalt  }
0x44: {  	_ =	shalt  }
0x45: {  	_ =	shalt  }
0x46: {  	_ =	shalt  }
0x47: {  	_ =	shalt  }
0x48: {  	_ =	shalt  }
0x49: {  	_ =	shalt  }
0x4a: {  	_ =	shalt  }
0x4b: {  	_ =	shalt  }
0x4c: {  	_ =	shalt  }
0x4d: {  	_ =	shalt  }
0x4e: {  	_ =	shalt  }
0x4f: {  	_ =	shalt  }
0x50: {  	_ =	shalt  }
0x51: {  	_ =	shalt  }
0x52: {  	_ =	shalt  }
0x53: {  	_ =	shalt  }
0x54: {  	_ =	shalt  }
0x55: {  	_ =	shalt  }
0x56: {  	_ =	shalt  }
0x57: {  	_ =	shalt  }
0x58: {  	_ =	shalt  }
0x59: {  	_ =	shalt  }
0x5a: {  	_ =	shalt  }
0x5b: {  	_ =	shalt  }
0x5c: {  	_ =	shalt  }
0x5d: {  	_ =	shalt  }
0x5e: {  	_ =	shalt  }
0x5f: {  	_ =	shalt  }
0x60: {  	_ =	shalt  }
0x61: {  	_ =	shalt  }
0x62: {  	_ =	shalt  }
0x63: {  	_ =	shalt  }
0x64: {  	_ =	shalt  }
0x65: {  	_ =	shalt  }
0x66: {  	_ =	shalt  }
0x67: {  	_ =	shalt  }
0x68: {  	_ =	shalt  }
0x69: {  	_ =	shalt  }
0x6a: {  	_ =	shalt  }
0x6b: {  	_ =	shalt  }
0x6c: {  	_ =	shalt  }
0x6d: {  	_ =	shalt  }
0x6e: {  	_ =	shalt  }
0x6f: {  	_ =	shalt  }
0x70: {  	_ =	shalt  }
0x71: {  	_ =	shalt  }
0x72: {  	_ =	shalt  }
0x73: {  	_ =	shalt  }
0x74: {  	_ =	shalt  }
0x75: {  	_ =	shalt  }
0x76: {  	_ =	shalt  }
0x77: {  	_ =	shalt  }
0x78: {  	_ =	shalt  }
0x79: {  	_ =	shalt  }
0x7a: {  	_ =	shalt  }
0x7b: {  	_ =	shalt  }
0x7c: {  	_ =	shalt  }
0x7d: {  	_ =	shalt  }
0x7e: {  	_ =	shalt  }
0x7f: {  	_ =	shalt  }
0x80: {  	_ =	shalt  }
0x81: {  	_ =	shalt  }
0x82: {  	_ =	shalt  }
0x83: {  	_ =	shalt  }
0x84: {  	_ =	shalt  }
0x85: {  	_ =	shalt  }
0x86: {  	_ =	shalt  }
0x87: {  	_ =	shalt  }
.Lfunc_end0:
.L_simem_size_0:
called_computation.1_lowered:
.L_overlay_start_0:
0x88: {  	s2 =	sld [smem:$0x3FD9]  }
0x89: {  	s3 =	sld [smem:$0x3FFE];
	_ =	sdelay $0x1  }
0x8a: {  	s1 =	srdreg.scid  }
0x8b: {  	s0 =	sand.u32 $0x1, s1  }
0x8c: {  	s17 =	sshll.u32 s0, $0xA;
	s2 =	sadd.s32 s3, s2  }
0x8d: {  	s2 =	sadd.s32 s2, s17  }
0x8e: {  	[smem:$0x3FC6] =	sst s2  }
0x8f: {  	_ = 	snop  }
0x90: {  	s2 =	sld [smem:$0x3FD0];
	(tm) =	ssettm $0x1  }
0x91: {  	s18 =	sld [smem:$0x3FFB];
	_ =	sdelay $0x3  }
0x92: {  	_ =	strace s18  }
0x93: {  	s3 =	sld [smem:$0x3FFC];
	_ =	sdelay $0x3  }
0x94: {  	_ =	strace s3  }
0x95: {  	s3 =	sld [smem:$0x3FFD];
	_ =	sdelay $0x3  }
0x96: {  	_ =	strace s3  }
0x97: {  	_ =	strace $0x8FFFFFFF  }
0x98: {  	s19 =	sld [smem:$0x3FDB];
	_ =	sdelay $0x1  }
0x99: {  	s4 =	simm.s32 $_scs_section_size  }
0x9a: {  	s5 =	simm.s32 $_size__tile_overlayer_lowered;
	s6 =	simm.s32 $_tile_overlayer_lowered  }
0x9b: {  	s22 =	simm.s32 $0x1BFF;
	s21 =	sshll.u32 s6, $0x1;
	s3 =	sadd.s32 s4, s19  }
0x9c: {  	s7 =	simm.s32 $0x0;
	s20 =	sshll.u32 s5, $0x1;
	s5 =	sadd.s32 s21, s3  }
0x9d: {  	[timem:s7], [sflag:s22] =	dma.local [hbm:s5], s20  }
0x9e: {  	_ =	swait.ge [sflag:s22], s20  }
0x9f: {  	s4 =	ssub.s32 $0x0, s20;
	[sflag:s22] =	ssyncset.done $0x0  }
0xa0: {  	[sflag:s22] =	ssyncadd.s32 s4;
	_ =	sdelay $0x1  }
0xa1: {  	s23 =	simm.s32 $0x1B8B  }
0xa2: {  	_ =	swait.ge [sflag:s23], $0x1  }
0xa3: {  	[sflag:s23] =	ssyncset.done $0x0  }
0xa4: {  	s25 =	simm.s32 $0x1B8E;
	s24 =	sld [smem:$0x3FFE];
	[sflag:s23] =	ssyncadd.s32 $0xFFFFFFFF  }
0xa5: {  	s26 =	simm.s32 $execute0_lowered;
	[smem:$0x3FD2] =	sst s25  }
0xa6: {  	s5 =	sshll.u32 s26, $0x1;
	_ =	strace $0x80000046;
	[dreg:$0x1] =	wrdreg $0xFFFFFFFF  }
0xa7: {  	s28 =	simm.s32 $_size_execute0_lowered;
	s3 =	sadd.s32 s3, s5;
	[dreg:$0x0] =	wrdreg $0x0  }
0xa8: {  	s5 =	sshll.u32 s28, $0x1;
	[dreg:$0x2] =	wrdreg s3  }
0xa9: {  	[dreg:$0x3] =	wrdreg s5  }
0xaa: {  	[dreg:$0x4] =	wrdreg $0xC0  }
0xab: {  	_ =	task [dreg:s7], $0x5FFFF  }
0xac: {  	[dreg:$0x1] =	wrdreg $0xFFFFFFFF  }
0xad: {  	[dreg:$0x0] =	wrdreg $0x60  }
0xae: {  	[dreg:$0x2] =	wrdreg s24  }
0xaf: {  	[dreg:$0x3] =	wrdreg s2  }
0xb0: {  	[dreg:$0x4] =	wrdreg $0x9  }
0xb1: {  	_ =	task.clear_ibuf [dreg:s7], $0x5FFFF;
	_ =	strace $0x90000046  }
0xb2: {  	s29 =	simm.s32 $0x9;
	_ =	strace $0x80000048  }
0xb3: {  	_ =	swait.ge [sflag:s29], $0x1  }
0xb4: {  	[sflag:s29] =	ssyncadd.s32 $0xFFFFFFFF  }
0xb5: {  	_ =	strace $0x90000048  }
0xb6: {  	_ =	sfence  }
0xb7: {  	s30 =	sld [smem:$0x0];
	_ =	sdelay $0x2  }
0xb8: {  	s31 =	sshll.u32 s1, $0xD;
	s1 =	sshrl.u32 s1, $0x2  }
0xb9: {  	s3 =	sand.u32 $0x4000, s31;
	s1 =	sadd.s32 s1, s30  }
0xba: {  	s0 =	sor.u32 s3, s0;
	s1 =	sshll.u32 s1, $0x11  }
0xbb: {  	s0 =	sor.u32 s1, s0  }
0xbc: {  	s0 =	sadd.s32 $0x8F2B, s0  }
0xbd: {  	[sflag:s0] =	ssyncadd.remote.s32 $0x1  }
0xbe: {  	_ =	sfence.sel $0xFFFF  }
0xbf: {  	[dreg:$0x0] =	wrdreg $0xFFFFFFFF;
	(pc) =	sbr.abs _section_cstart, $3  }
0xc0: {  	[dreg:$0x1] =	wrdreg $0xFFFFFFFF  }
0xc1: {  	_ =	task.clear_ibuf [dreg:s7], $0x2FFFF;
	_ =	strace $0x9FFFFFFF  }
0xc2: {  	(tm) =	ssettm $0x7FFFFFFF  }
0xc3: {  	_ =	shalt  }
tec
execute0_lowered:
.L_overlay_start_1:
0x0: {  	(tag) =	ssettag $0x1  }
0x1: {  	s0 =	srdreg.scid  }
0x2: {  	s10 =	stileid.u32;
	s1 =	rddreg [dreg:$0x0]  }
0x3: {  	s4 =	rddreg [dreg:$0x1];
	s13 =	simm.s32 $0x9;
	s14 =	simm.s32 $0x80  }
0x4: {  	s15 =	simm.s32 $0x3400;
	s16 =	simm.s32 $0x5400;
	s18 =	simm.s32 $0x7400  }
0x5: {  	s29 =	simm.s32 $0x11400;
	s30 =	simm.s32 $0x1;
	s7 =	smul.u32 $0x68, s10  }
0x6: {  	s31 =	simm.s32 $0x5;
	s0 =	sand.u32 $0x1, s0;
	s25 =	smul.u32 $0x34000, s10  }
0x7: {  	s17 =	simm.s32 $0x3;
	s2 =	sshll.u32 s10, $0x1;
	s9 =	smul.u32 $0x34, s0  }
0x8: {  	s3 =	sor.u32 s0, s2;
	s20 =	ssub.s32 $0x2, s0;
	s0 =	smul.u32 $0x1A000, s0  }
0x9: {  	s19 =	simm.s32 $0x7;
	s2 =	simm.s32 $0x0;
	s5 =	smul.u32 $0x680, s3  }
0xa: {  	[smem:$0x7FF] =	sst s2;
	s6 =	smul.u32 $0xD0000, s3;
	s3 =	sadd.s32 $0xF42C00, s1  }
0xb: {  	s8 =	sshrl.u32 s20, $0x1;
	s28 =	sadd.s32 s25, s4;
	s25 =	simm.s32 $0x0  }
0xc: {  	_ =	strace $0x80000047;
	s23 =	sadd.s32 s9, s7;
	s12 =	sadd.s32 s0, s28  }
0xd: {  	s0 =	simm.s32 $0x6;
	s5 =	sadd.s32 s5, s1;
	s6 =	sshrl.u32 s6, $0x3  }
0xe: {  	s1 =	ssub.s32 s20, s8;
	s5 =	sadd.s32 $0x800, s5;
	s21 =	sadd.s32 s4, s6  }
0xf: {  	s20 =	simm.s32 $0x9400;
	[dreg:$0x3] =	wrdreg s5;
	s6 =	sadd.s32 $0x18000, s21  }
0x10: {  	s9 =	smax.u32 s1, $0x1;
	s22 =	sadd.s32 $0x18800, s21;
	[dreg:$0x4] =	wrdreg s6  }
0x11: {  	s1 =	simm.s32 $0x2;
	s24 =	sadd.s32 $0x19000, s21;
	[dreg:$0x5] =	wrdreg s22  }
0x12: {  	s5 =	sadd.s32 $0x19800, s21;
	s21 =	simm.s32 $0x4;
	[dreg:$0x6] =	wrdreg s24  }
0x13: {  	s6 =	sshll.u32 s23, $0xB;
	[dreg:$0x7] =	wrdreg s5;
	s22 =	simm.s32 $0xB400  }
0x14: {  	s24 =	simm.s32 $0xD400;
	s23 =	simm.s32 $0x8;
	s26 =	sadd.s32 s6, s4  }
0x15: {  	s10 =	sadd.s32 $0x1800, s26;
	s11 =	sadd.s32 $0x1000, s26;
	s26 =	simm.s32 $0xF400  }
.LBB2_1:
0x16: {  	s4 =	rddreg [dreg:$0x3]  }
0x17: {  	[tilespmem:s2], [sflag:$0x9] =	stream.linear.gather [hbm4b:s4+s2], $0x3400, $0x38;
	[tilespmem:$0x13400] =	vst v63  }
0x18: {  	_ =	swait.ge [sflag:s13], $0x3400  }
0x19: {  	[sflag:s13] =	ssyncset.done $0x0  }
0x1a: {  	[sflag:s13] =	ssyncadd.s32 $0xFFFFCC00  }
0x1b: {  	[tilespmem:s15], [sflag:$0x1] =	stream.indirect.gather [hbm4b:s3+s14], $0x40, s2, s14, $0xb8;
	[tilespmem:$0x13400] =	vst v63  }
0x1c: {  	_ = 	snop  }
0x1d: {  	[tilespmem:s16], [sflag:$0x1] =	stream.indirect.gather [hbm4b:s3+s14], $0x40, s14, s14, $0xb8;
	[tilespmem:$0x13400] =	vst v63  }
0x1e: {  	s7 =	simm.s32 $0x100  }
0x1f: {  	[tilespmem:s18], [sflag:$0x2] =	stream.indirect.gather [hbm4b:s3+s14], $0x40, s7, s14, $0xb8;
	[tilespmem:$0x13400] =	vst v63  }
0x20: {  	s8 =	simm.s32 $0x180  }
0x21: {  	[tilespmem:s20], [sflag:$0x2] =	stream.indirect.gather [hbm4b:s3+s14], $0x40, s8, s14, $0xb8;
	[tilespmem:$0x13400] =	vst v63  }
0x22: {  	s5 =	simm.s32 $0x200  }
0x23: {  	[tilespmem:s22], [sflag:$0x3] =	stream.indirect.gather [hbm4b:s3+s14], $0x40, s5, s14, $0xb8;
	[tilespmem:$0x13400] =	vst v63  }
0x24: {  	s6 =	simm.s32 $0x280  }
0x25: {  	[tilespmem:s24], [sflag:$0x3] =	stream.indirect.gather [hbm4b:s3+s14], $0x40, s6, s14, $0xb8;
	[tilespmem:$0x13400] =	vst v63  }
0x26: {  	s7 =	simm.s32 $0x300  }
0x27: {  	[tilespmem:s26], [sflag:$0x4] =	stream.indirect.gather [hbm4b:s3+s14], $0x40, s7, s14, $0xb8;
	[tilespmem:$0x13400] =	vst v63  }
0x28: {  	s8 =	simm.s32 $0x380  }
0x29: {  	[tilespmem:s29], [sflag:$0x4] =	stream.indirect.gather [hbm4b:s3+s14], $0x40, s8, s14, $0xb8;
	[tilespmem:$0x13400] =	vst v63  }
0x2a: {  	_ =	swait.ge [sflag:s30], $0x4000  }
0x2b: {  	[sflag:s30] =	ssyncset.done $0x0  }
0x2c: {  	[sflag:s30] =	ssyncadd.s32 $0xFFFFC000  }
0x2d: {  	[hbm4b:s12+s2] =	stream.linear.scatter [tilespmem:s15], [sflag:$0x5], $0x4000, $0x38;
	[tilespmem:$0x13400] =	vst v63  }
0x2e: {  	_ =	swait.ge [sflag:s31], $0x4000  }
0x2f: {  	[sflag:s31] =	ssyncset.done $0x0  }
0x30: {  	s5 =	simm.s32 $0x400;
	[sflag:s31] =	ssyncadd.s32 $0xFFFFC000  }
0x31: {  	[tilespmem:s15], [sflag:$0x1] =	stream.indirect.gather [hbm4b:s3+s14], $0x40, s5, s14, $0xb8;
	[tilespmem:$0x13400] =	vst v63  }
0x32: {  	s6 =	simm.s32 $0x480  }
0x33: {  	[tilespmem:s16], [sflag:$0x1] =	stream.indirect.gather [hbm4b:s3+s14], $0x40, s6, s14, $0xb8;
	[tilespmem:$0x13400] =	vst v63  }
0x34: {  	_ =	swait.ge [sflag:s1], $0x4000  }
0x35: {  	[sflag:s1] =	ssyncset.done $0x0  }
0x36: {  	s7 =	sadd.s32 $0xFFFFF000, s10;
	[sflag:s1] =	ssyncadd.s32 $0xFFFFC000  }
0x37: {  	[hbm4b:s7+s2] =	stream.linear.scatter [tilespmem:s18], [sflag:$0x6], $0x4000, $0x38;
	[tilespmem:$0x13400] =	vst v63  }
0x38: {  	_ =	swait.ge [sflag:s0], $0x4000  }
0x39: {  	[sflag:s0] =	ssyncset.done $0x0  }
0x3a: {  	s8 =	simm.s32 $0x500;
	[sflag:s0] =	ssyncadd.s32 $0xFFFFC000  }
0x3b: {  	[tilespmem:s18], [sflag:$0x2] =	stream.indirect.gather [hbm4b:s3+s14], $0x40, s8, s14, $0xb8;
	[tilespmem:$0x13400] =	vst v63  }
0x3c: {  	s5 =	simm.s32 $0x580  }
0x3d: {  	[tilespmem:s20], [sflag:$0x2] =	stream.indirect.gather [hbm4b:s3+s14], $0x40, s5, s14, $0xb8;
	[tilespmem:$0x13400] =	vst v63  }
0x3e: {  	_ =	swait.ge [sflag:s17], $0x4000  }
0x3f: {  	[sflag:s17] =	ssyncset.done $0x0  }
0x40: {  	[sflag:s17] =	ssyncadd.s32 $0xFFFFC000  }
0x41: {  	[hbm4b:s11+s2] =	stream.linear.scatter [tilespmem:s22], [sflag:$0x7], $0x4000, $0x38;
	[tilespmem:$0x13400] =	vst v63  }
0x42: {  	_ =	swait.ge [sflag:s19], $0x4000  }
0x43: {  	[sflag:s19] =	ssyncset.done $0x0  }
0x44: {  	s6 =	simm.s32 $0x600;
	[sflag:s19] =	ssyncadd.s32 $0xFFFFC000  }
0x45: {  	[tilespmem:s22], [sflag:$0x3] =	stream.indirect.gather [hbm4b:s3+s14], $0x40, s6, s14, $0xb8;
	[tilespmem:$0x13400] =	vst v63  }
0x46: {  	s7 =	simm.s32 $0x680  }
0x47: {  	[tilespmem:s24], [sflag:$0x3] =	stream.indirect.gather [hbm4b:s3+s14], $0x40, s7, s14, $0xb8;
	[tilespmem:$0x13400] =	vst v63  }
0x48: {  	_ =	swait.ge [sflag:s21], $0x4000  }
0x49: {  	[sflag:s21] =	ssyncset.done $0x0  }
0x4a: {  	[sflag:s21] =	ssyncadd.s32 $0xFFFFC000  }
0x4b: {  	[hbm4b:s10+s2] =	stream.linear.scatter [tilespmem:s26], [sflag:$0x8], $0x4000, $0x38;
	[tilespmem:$0x13400] =	vst v63  }
0x4c: {  	s28 =	simm.s32 $0x1000;
	s4 =	sadd.s32 $0x2000, s12;
	_ =	swait.ge [sflag:s23], $0x4000  }
0x4d: {  	s8 =	simm.s32 $0x700;
	s5 =	sadd.s32 $0x2000, s10;
	[sflag:s23] =	ssyncset.done $0x0  }
0x4e: {  	s6 =	sadd.s32 $0x2000, s11;
	s7 =	simm.s32 $0x780;
	[sflag:s23] =	ssyncadd.s32 $0xFFFFC000  }
0x4f: {  	[tilespmem:s26], [sflag:$0x4] =	stream.indirect.gather [hbm4b:s3+s14], $0x40, s8, s14, $0xb8;
	[tilespmem:$0x13400] =	vst v63  }
.LBB2_2:
0x50: {  	[tilespmem:s29], [sflag:$0x4] =	stream.indirect.gather [hbm4b:s3+s14], $0x40, s7, s14, $0xb8;
	[tilespmem:$0x13400] =	vst v63  }
0x51: {  	s7 =	smov.u32 s28  }
0x52: {  	p0 =	sne.s32 s28, $0xB000;
	s28 =	sadd.s32 $0x1000, s28;
	_ =	swait.ge [sflag:s30], $0x4000  }
0x53: {  	[sflag:s30] =	ssyncset.done $0x0  }
0x54: {  	[sflag:s30] =	ssyncadd.s32 $0xFFFFC000  }
0x55: {  	[hbm4b:s4+s2] =	stream.linear.scatter [tilespmem:s15], [sflag:$0x5], $0x4000, $0x38;
	[tilespmem:$0x13400] =	vst v63  }
0x56: {  	_ =	swait.ge [sflag:s31], $0x4000  }
0x57: {  	s7 =	sshra.s32 s7, $0x2;
	[sflag:s31] =	ssyncset.done $0x0  }
0x58: {  	s8 =	sadd.s32 $0x400, s7;
	[sflag:s31] =	ssyncadd.s32 $0xFFFFC000  }
0x59: {  	[tilespmem:s15], [sflag:$0x1] =	stream.indirect.gather [hbm4b:s3+s14], $0x40, s8, s14, $0xb8;
	[tilespmem:$0x13400] =	vst v63  }
0x5a: {  	s8 =	sadd.s32 $0x480, s7  }
0x5b: {  	[tilespmem:s16], [sflag:$0x1] =	stream.indirect.gather [hbm4b:s3+s14], $0x40, s8, s14, $0xb8;
	[tilespmem:$0x13400] =	vst v63  }
0x5c: {  	_ =	swait.ge [sflag:s1], $0x4000  }
0x5d: {  	[sflag:s1] =	ssyncset.done $0x0  }
0x5e: {  	s8 =	sadd.s32 $0xFFFFF000, s5;
	[sflag:s1] =	ssyncadd.s32 $0xFFFFC000  }
0x5f: {  	[hbm4b:s8+s2] =	stream.linear.scatter [tilespmem:s18], [sflag:$0x6], $0x4000, $0x38;
	[tilespmem:$0x13400] =	vst v63  }
0x60: {  	_ =	swait.ge [sflag:s0], $0x4000  }
0x61: {  	[sflag:s0] =	ssyncset.done $0x0  }
0x62: {  	s8 =	sadd.s32 $0x500, s7;
	[sflag:s0] =	ssyncadd.s32 $0xFFFFC000  }
0x63: {  	[tilespmem:s18], [sflag:$0x2] =	stream.indirect.gather [hbm4b:s3+s14], $0x40, s8, s14, $0xb8;
	[tilespmem:$0x13400] =	vst v63  }
0x64: {  	s8 =	sadd.s32 $0x580, s7  }
0x65: {  	[tilespmem:s20], [sflag:$0x2] =	stream.indirect.gather [hbm4b:s3+s14], $0x40, s8, s14, $0xb8;
	[tilespmem:$0x13400] =	vst v63  }
0x66: {  	_ =	swait.ge [sflag:s17], $0x4000  }
0x67: {  	[sflag:s17] =	ssyncset.done $0x0  }
0x68: {  	[sflag:s17] =	ssyncadd.s32 $0xFFFFC000  }
0x69: {  	[hbm4b:s6+s2] =	stream.linear.scatter [tilespmem:s22], [sflag:$0x7], $0x4000, $0x38;
	[tilespmem:$0x13400] =	vst v63  }
0x6a: {  	_ =	swait.ge [sflag:s19], $0x4000  }
0x6b: {  	[sflag:s19] =	ssyncset.done $0x0  }
0x6c: {  	s8 =	sadd.s32 $0x600, s7;
	[sflag:s19] =	ssyncadd.s32 $0xFFFFC000  }
0x6d: {  	[tilespmem:s22], [sflag:$0x3] =	stream.indirect.gather [hbm4b:s3+s14], $0x40, s8, s14, $0xb8;
	[tilespmem:$0x13400] =	vst v63  }
0x6e: {  	s8 =	sadd.s32 $0x680, s7  }
0x6f: {  	[tilespmem:s24], [sflag:$0x3] =	stream.indirect.gather [hbm4b:s3+s14], $0x40, s8, s14, $0xb8;
	[tilespmem:$0x13400] =	vst v63  }
0x70: {  	_ =	swait.ge [sflag:s21], $0x4000  }
0x71: {  	[sflag:s21] =	ssyncset.done $0x0  }
0x72: {  	[sflag:s21] =	ssyncadd.s32 $0xFFFFC000  }
0x73: {  	[hbm4b:s5+s2] =	stream.linear.scatter [tilespmem:s26], [sflag:$0x8], $0x4000, $0x38;
	[tilespmem:$0x13400] =	vst v63  }
.Ltmp0:
0x74: {  	_ =	swait.ge [sflag:s23], $0x4000;
	(pc) =	sbr.rel @p0 .LBB2_2-.Ltmp0, $4  }
0x75: {  	[sflag:s23] =	ssyncset.done $0x0  }
0x76: {  	s4 =	sadd.s32 $0x2000, s4;
	s8 =	sadd.s32 $0x700, s7;
	[sflag:s23] =	ssyncadd.s32 $0xFFFFC000  }
0x77: {  	[tilespmem:s26], [sflag:$0x4] =	stream.indirect.gather [hbm4b:s3+s14], $0x40, s8, s14, $0xb8;
	[tilespmem:$0x13400] =	vst v63  }
0x78: {  	s6 =	sadd.s32 $0x2000, s6;
	s7 =	sadd.s32 $0x780, s7;
	s5 =	sadd.s32 $0x2000, s5  }
0x79: {  	[tilespmem:s29], [sflag:$0x4] =	stream.indirect.gather [hbm4b:s3+s14], $0x40, s7, s14, $0xb8;
	[tilespmem:$0x13400] =	vst v63  }
0x7a: {  	_ =	swait.ge [sflag:s30], $0x4000  }
0x7b: {  	[sflag:s30] =	ssyncset.done $0x0  }
0x7c: {  	s4 =	rddreg [dreg:$0x4];
	[sflag:s30] =	ssyncadd.s32 $0xFFFFC000  }
0x7d: {  	[hbm4b:s4+s2] =	stream.linear.scatter [tilespmem:s15], [sflag:$0x9], $0x4000, $0x38;
	[tilespmem:$0x13400] =	vst v63  }
0x7e: {  	_ =	swait.ge [sflag:s13], $0x4000  }
0x7f: {  	[sflag:s13] =	ssyncset.done $0x0  }
0x80: {  	[sflag:s13] =	ssyncadd.s32 $0xFFFFC000  }
0x81: {  	_ =	swait.ge [sflag:s1], $0x4000  }
0x82: {  	[sflag:s1] =	ssyncset.done $0x0  }
0x83: {  	s7 =	rddreg [dreg:$0x5];
	[sflag:s1] =	ssyncadd.s32 $0xFFFFC000  }
0x84: {  	[hbm4b:s7+s2] =	stream.linear.scatter [tilespmem:s18], [sflag:$0x9], $0x4000, $0x38;
	[tilespmem:$0x13400] =	vst v63  }
0x85: {  	_ =	swait.ge [sflag:s13], $0x4000  }
0x86: {  	[sflag:s13] =	ssyncset.done $0x0  }
0x87: {  	[sflag:s13] =	ssyncadd.s32 $0xFFFFC000  }
0x88: {  	_ =	swait.ge [sflag:s17], $0x4000  }
0x89: {  	[sflag:s17] =	ssyncset.done $0x0  }
0x8a: {  	s8 =	rddreg [dreg:$0x6];
	[sflag:s17] =	ssyncadd.s32 $0xFFFFC000  }
0x8b: {  	[hbm4b:s8+s2] =	stream.linear.scatter [tilespmem:s22], [sflag:$0x9], $0x4000, $0x38;
	[tilespmem:$0x13400] =	vst v63  }
0x8c: {  	_ =	swait.ge [sflag:s13], $0x4000  }
0x8d: {  	[sflag:s13] =	ssyncset.done $0x0  }
0x8e: {  	[sflag:s13] =	ssyncadd.s32 $0xFFFFC000  }
0x8f: {  	s25 =	sadd.s32 $0x1, s25;
	_ =	swait.ge [sflag:s21], $0x4000  }
0x90: {  	p0 =	sne.s32 s25, s9;
	[sflag:s21] =	ssyncset.done $0x0  }
.Ltmp1:
0x91: {  	s28 =	rddreg [dreg:$0x7];
	[sflag:s21] =	ssyncadd.s32 $0xFFFFC000;
	(pc) =	sbr.rel @p0 .LBB2_1-.Ltmp1, $4  }
0x92: {  	[hbm4b:s28+s2] =	stream.linear.scatter [tilespmem:s26], [sflag:$0x9], $0x4000, $0x38;
	[tilespmem:$0x13400] =	vst v63  }
0x93: {  	_ =	swait.ge [sflag:s13], $0x4000  }
0x94: {  	[sflag:s13] =	ssyncset.done $0x0  }
0x95: {  	[sflag:s13] =	ssyncadd.s32 $0xFFFFC000  }
0x96: {  	_ =	sfence.sel $0x180000  }
0x97: {  	[bflag:$0x0] =	sbarrier.arrive $0xFFFF  }
0x98: {  	_ =	strace $0x90000047  }
0x99: {  	s0 =	stileid.u32;
	[bflag:$0x2] =	sbarrier.arrive $0xFFFF  }
0x9a: {  	p0 =	sne.s32 s0, $0x0;
	s0 =	rddreg [dreg:$0x2]  }
0x9b: {  	s0 =	sadd.s32 @!p0 $0x100000, s0  }
0x9c: {  	[sflag:s0] =	ssyncadd.tile.s32 @!p0 $0x1;
	_ =	shalt  }
.Lfunc_end2:
_tile_overlayer_lowered:
.L_overlay_start_2:
0x9d: {  	(tag) =	ssettag $0x2  }
0x9e: {  	s0 =	rddreg [dreg:$0x0];
	s2 =	stileid.u32  }
0x9f: {  	s1 =	rddreg [dreg:$0x1];
	p0 =	sne.s32 s2, $0x0  }
0xa0: {  	s3 =	rddreg [dreg:$0x2];
	[bflag:$0x3] =	sbarrier.arrive $0xFFFF;
	s2 =	simm.s32 @!p0 $0x1C09  }
0xa1: {  	[timem:s3], [sflag:s2] =	dma.local @!p0 [hbm:s0], s1  }
0xa2: {  	s0 =	simm.s32 @!p0 $0x9  }
0xa3: {  	_ =	swait.ge @!p0 [sflag:s0], s1  }
0xa4: {  	s1 =	ssub.s32 @!p0 $0x0, s1;
	[sflag:s0] =	ssyncset.done @!p0 $0x0  }
0xa5: {  	[sflag:s0] =	ssyncadd.s32 @!p0 s1  }
0xa6: {  	[bflag:$0x3] =	sbarrier.arrive $0xFFFF  }
0xa7: {  	_ =	shalt  }

// kernel: sparse-core-data-format-call.cloned.1.call-start
scs
called_computation_lowered:
.L_overlay_start_0:
0x0: {  	s2 =	sld [smem:$0x3FD9]  }
0x1: {  	s3 =	sld [smem:$0x3FFE];
	_ =	sdelay $0x1  }
0x2: {  	s1 =	srdreg.scid  }
0x3: {  	s0 =	sand.u32 $0x1, s1  }
0x4: {  	s18 =	sshll.u32 s0, $0xA;
	s2 =	sadd.s32 s3, s2  }
0x5: {  	s2 =	sadd.s32 s2, s18  }
0x6: {  	[smem:$0x3FC6] =	sst s2  }
0x7: {  	_ = 	snop  }
0x8: {  	s2 =	sld [smem:$0x3FD0];
	(tm) =	ssettm $0x1  }
0x9: {  	s19 =	sld [smem:$0x3FFB];
	_ =	sdelay $0x3  }
0xa: {  	_ =	strace s19  }
0xb: {  	s3 =	sld [smem:$0x3FFC];
	_ =	sdelay $0x3  }
0xc: {  	_ =	strace s3  }
0xd: {  	s3 =	sld [smem:$0x3FFD];
	_ =	sdelay $0x3  }
0xe: {  	_ =	strace s3  }
0xf: {  	_ =	strace $0x8FFFFFFF  }
0x10: {  	s20 =	sld [smem:$0x3FDB];
	_ =	sdelay $0x1  }
0x11: {  	s4 =	simm.s32 $_scs_section_size  }
0x12: {  	s5 =	simm.s32 $_size__tile_overlayer_lowered;
	s6 =	simm.s32 $_tile_overlayer_lowered  }
0x13: {  	s23 =	simm.s32 $0x1BFF;
	s22 =	sshll.u32 s6, $0x1;
	s3 =	sadd.s32 s4, s20  }
0x14: {  	s7 =	simm.s32 $0x0;
	s21 =	sshll.u32 s5, $0x1;
	s5 =	sadd.s32 s22, s3  }
0x15: {  	[timem:s7], [sflag:s23] =	dma.local [hbm:s5], s21  }
0x16: {  	_ =	swait.ge [sflag:s23], s21  }
0x17: {  	s4 =	ssub.s32 $0x0, s21;
	[sflag:s23] =	ssyncset.done $0x0  }
0x18: {  	[sflag:s23] =	ssyncadd.s32 s4;
	_ =	sdelay $0x1  }
0x19: {  	s24 =	simm.s32 $0x1B8B  }
0x1a: {  	_ =	swait.ge [sflag:s24], $0x1  }
0x1b: {  	[sflag:s24] =	ssyncset.done $0x0  }
0x1c: {  	s26 =	simm.s32 $0x1B8E;
	s25 =	sld [smem:$0x3FFE];
	[sflag:s24] =	ssyncadd.s32 $0xFFFFFFFF  }
0x1d: {  	s27 =	simm.s32 $execute0_lowered;
	[smem:$0x3FD2] =	sst s26  }
0x1e: {  	s5 =	sshll.u32 s27, $0x1;
	_ =	strace $0x80000049;
	[dreg:$0x1] =	wrdreg $0xFFFFFFFF  }
0x1f: {  	s28 =	simm.s32 $_size_execute0_lowered;
	s3 =	sadd.s32 s3, s5;
	[dreg:$0x0] =	wrdreg $0x0  }
0x20: {  	s5 =	sshll.u32 s28, $0x1;
	[dreg:$0x2] =	wrdreg s3  }
0x21: {  	[dreg:$0x3] =	wrdreg s5  }
0x22: {  	[dreg:$0x4] =	wrdreg $0xC0  }
0x23: {  	_ =	task [dreg:s7], $0x5FFFF  }
0x24: {  	[dreg:$0x1] =	wrdreg $0xFFFFFFFF  }
0x25: {  	[dreg:$0x0] =	wrdreg $0x60  }
0x26: {  	[dreg:$0x2] =	wrdreg s25  }
0x27: {  	[dreg:$0x3] =	wrdreg s2  }
0x28: {  	[dreg:$0x4] =	wrdreg $0x9  }
0x29: {  	_ =	task.clear_ibuf [dreg:s7], $0x5FFFF;
	_ =	strace $0x90000049  }
0x2a: {  	s29 =	simm.s32 $0x9;
	_ =	strace $0x8000004B  }
0x2b: {  	_ =	swait.ge [sflag:s29], $0x1  }
0x2c: {  	[sflag:s29] =	ssyncadd.s32 $0xFFFFFFFF  }
0x2d: {  	_ =	strace $0x9000004B  }
0x2e: {  	_ =	sfence  }
0x2f: {  	s30 =	sld [smem:$0x0];
	_ =	sdelay $0x2  }
0x30: {  	s31 =	sshll.u32 s1, $0xD;
	s1 =	sshrl.u32 s1, $0x2  }
0x31: {  	s3 =	sand.u32 $0x4000, s31;
	s1 =	sadd.s32 s1, s30  }
0x32: {  	s0 =	sor.u32 s3, s0;
	s1 =	sshll.u32 s1, $0x11  }
0x33: {  	s0 =	sor.u32 s1, s0  }
0x34: {  	s0 =	sadd.s32 $0x8F2B, s0  }
0x35: {  	[sflag:s0] =	ssyncadd.remote.s32 $0x1  }
0x36: {  	_ =	sfence.sel $0xFFFF  }
0x37: {  	[dreg:$0x0] =	wrdreg $0xFFFFFFFF;
	(pc) =	sbr.abs _section_cstart, $3  }
0x38: {  	[dreg:$0x1] =	wrdreg $0xFFFFFFFF  }
0x39: {  	_ =	task.clear_ibuf [dreg:s7], $0x2FFFF;
	_ =	strace $0x9FFFFFFF  }
0x3a: {  	(tm) =	ssettm $0x7FFFFFFF  }
0x3b: {  	_ =	shalt  }
tec
execute0_lowered:
.L_overlay_start_1:
0x0: {  	(tag) =	ssettag $0x1  }
0x1: {  	s0 =	srdreg.scid  }
0x2: {  	s1 =	sshll.u32 s0, $0x4  }
0x3: {  	s0 =	stileid.u32;
	s1 =	sand.u32 $0x10, s1  }
0x4: {  	s1 =	sor.u32 s0, s1  }
0x5: {  	s6 =	rddreg [dreg:$0x0];
	s4 =	simm.s32 $0x1;
	s2 =	sshll.u32 s1, $0x7  }
0x6: {  	s7 =	simm.s32 $0x2;
	s12 =	simm.s32 $0x0;
	s1 =	ssub.s32 $0x4000, s2  }
0x7: {  	s8 =	simm.s32 $0x20000;
	s13 =	simm.s32 $0x0;
	s3 =	sand.u32 $0xF80, s1  }
0x8: {  	s9 =	simm.s32 $0x0;
	s5 =	sshrl.u32 s1, $0xC;
	p0 =	sne.s32 s3, $0x0  }
.Ltmp0:
0x9: {  	s1 =	rddreg [dreg:$0x2];
	s4 =	simm.s32 @!p0 $0x0;
	(pc) =	sbr.rel .LBB1_1-.Ltmp0, $4  }
0xa: {  	s11 =	simm.s32 $0x0;
	s3 =	rddreg [dreg:$0x1];
	s5 =	sadd.s32 s4, s5  }
0xb: {  	_ =	strace $0x8000004A;
	s4 =	simm.s32 $0x1;
	s5 =	smul.u32 $0x1A, s5  }
0xc: {  	s6 =	sadd.s32 $0x800, s6;
	s10 =	smov.u32 s2;
	[sflag:s4] =	ssyncpa.u1 $0x0  }
0xd: {  	p0 =	por $0x0, $0x0;
	[sflag:s7] =	ssyncpa.u1 $0x0;
	s7 =	sor.u32 $0x1, s5  }
.LBB1_4:
0xe: {  	s16 =	sshll.u32 s13, $0x3;
	s17 =	sand.u32 $0x78, s13  }
0xf: {  	s30 =	sand.u32 $0x1F800, s13;
	s12 =	sshll.u32 s12, $0x11;
	s16 =	sand.u32 $0x3C00, s16  }
0x10: {  	[tilespmem:s15+$0x810 ss:$0x81] =	vst.msk $0xffff, v2;
	s31 =	sand.u32 $0x7, s13;
	s16 =	sor.u32 s17, s16;
	s17 =	sadd.s32 s3, s30  }
0x11: {  	[tilespmem:s15+$0x1020 ss:$0x81] =	vst.msk $0xffff, v0;
	s13 =	sshll.u32 s31, $0x12;
	s12 =	sadd.s32 s12, s17;
	s16 =	sshrl.u32 s16, $0x3  }
0x12: {  	[tilespmem:s15+$0x0 ss:$0x81] =	vst.msk $0xffff, v1;
	s13 =	sor.u32 $0x400, s13;
	s12 =	sadd.s32 s16, s12  }
0x13: {  	[hbm4b:s12+s13] =	stream.strided.scatter [tilespmem:s14], [sflag:$0x2], $0x2000, s8, s13, $0x20;
	[tilespmem:$0x8080] =	vst v63  }
.LBB1_5:
0x14: {  	s14 =	sadd.s32 $0x1, s9  }
0x15: {  	s12 =	sadd.s32 $0x1000, s10;
	s16 =	smov.u32 s10;
	p2 =	sgt.s32 s14, $0x19  }
0x16: {  	s16 =	smov.u32 @p2 s12  }
0x17: {  	s14 =	simm.s32 @p2 $0x0;
	p2 =	sgt.s32 s16, $0x3FFF  }
0x18: {  	s16 =	smov.u32 @p2 s2;
	p2 =	sne.s32 s11, s7  }
.Ltmp1:
0x19: {  	p1 =	slt.u32 s11, $0x2;
	(pc) =	sbr.rel @!p2 .LBB1_6-.Ltmp1, $4  }
0x1a: {  	s15 =	simm.s32 @!p1 $0x2  }
0x1b: {  	s13 =	smov.u32 s10;
	p0 =	por !p0, !p0;
	_ =	swait.ge @!p1 [sflag:s15], $0x2000  }
0x1c: {  	s12 =	smov.u32 s9;
	[sflag:s15] =	ssyncset.done @!p1 $0x0;
	s9 =	smov.u32 s14  }
0x1d: {  	s11 =	sadd.s32 $0x1, s11;
	[sflag:s15] =	ssyncadd.s32 @!p1 $0xFFFFE000;
	s10 =	smov.u32 s16  }
.LBB1_1:
0x1e: {  	p1 =	sge.u32 s11, s5  }
0x1f: {  	s31 =	sadd.s32 $0xFFFFFFFF, s11;
	s14 =	sxor.u32 @!p1 $0xFFFFFFFF, s11  }
0x20: {  	s15 =	sshll.u32 @!p1 s10, $0x9;
	s16 =	sshll.u32 @!p1 s9, $0x4;
	s17 =	simm.s32 @!p1 $0x1000  }
0x21: {  	s14 =	sshll.u32 @!p1 s14, $0xD;
	s16 =	sand.u32 @!p1 $0x1F0, s16;
	s15 =	sadd.s32 @!p1 s6, s15  }
0x22: {  	s14 =	sand.u32 @!p1 $0x2000, s14;
	s15 =	sadd.s32 @!p1 s16, s15;
	s16 =	simm.s32 @!p1 $0x40  }
0x23: {  	[tilespmem:s14], [sflag:$0x1] =	stream.strided.gather @!p1 [hbm4b:s15+s16], $0x2000, s17, s16, $0x38;
	[tilespmem:$0x8080] =	vst v63  }
0x24: {  	p1 =	sge.u32 s31, s5  }
.Ltmp2:
0x25: {  	_ = 	snop;
	(pc) =	sbr.rel @p1 .LBB1_5-.Ltmp2, $1  }
0x26: {  	_ =	sdelay $0x3  }
0x27: {  	s14 =	simm.s32 $0x1  }
0x28: {  	_ =	swait.ge [sflag:s4], $0x2000;
	s14 =	simm.s32 @!p0 $0x0  }
0x29: {  	[sflag:s4] =	ssyncset.done $0x0;
	s15 =	sshll.u32 s14, $0xD  }
0x2a: {  	[sflag:s4] =	ssyncadd.s32 $0xFFFFE000;
	s18 =	sor.u32 $0x20, s15  }
0x2b: {  	s14 =	smul.u32 $0x8100, s14;
	v3 =	vld [tilespmem:s18+$0x10]  }
0x2c: {  	s30 =	sand.u32 $0x1, s11;
	v2 =	vld [tilespmem:s18+$0xFFFFFFF0]  }
0x2d: {  	s15 =	smul.u32 $0x8100, s30;
	s14 =	sshrl.u32 s14, $0x2;
	v0 =	vld [tilespmem:s18+$0x0]  }
0x2e: {  	v1 =	vld [tilespmem:s18+$0xFFFFFFE0];
	s16 =	sor.u32 $0x4000, s14  }
0x2f: {  	s31 =	sshrl.u32 s15, $0x2;
	s15 =	sadd.s32 $0x0, s16  }
0x30: {  	s17 =	simm.s32 $0x4;
	s18 =	sadd.s32 $0x40, s18;
	s14 =	sor.u32 $0x4000, s31;
	[tilespmem:s15+$0x1830 ss:$0x81] =	vst.msk $0xffff, v3  }
.LBB1_3:
0x31: {  	v3 =	vld [tilespmem:s18+$0x10];
	p1 =	sne.s32 s17, $0x1FC;
	[tilespmem:s15+$0x810 ss:$0x81] =	vst.msk $0xffff, v2;
	s19 =	smov.u32 s17;
	s17 =	sadd.s32 $0x4, s17  }
.Ltmp3:
0x32: {  	v2 =	vld [tilespmem:s18+$0xFFFFFFF0];
	[tilespmem:s15+$0x1020 ss:$0x81] =	vst.msk $0xffff, v0;
	(pc) =	sbr.rel @p1 .LBB1_3-.Ltmp3, $4  }
0x33: {  	v0 =	vld [tilespmem:s18+$0x0];
	[tilespmem:s15+$0x0 ss:$0x81] =	vst.msk $0xffff, v1  }
0x34: {  	s15 =	sshra.s32 s19, $0x2;
	v1 =	vld [tilespmem:s18+$0xFFFFFFE0]  }
0x35: {  	s15 =	sadd.s32 s15, s16  }
0x36: {  	s18 =	sadd.s32 $0x40, s18;
	[tilespmem:s15+$0x1830 ss:$0x81] =	vst.msk $0xffff, v3  }
.Ltmp4:
0x37: {  	_ = 	snop;
	(pc) =	sbr.rel .LBB1_4-.Ltmp4, $1  }
0x38: {  	_ =	sdelay $0x3  }
.LBB1_6:
0x39: {  	_ =	sfence.sel $0x180000  }
0x3a: {  	s2 =	simm.s32 $0x1;
	[bflag:$0x0] =	sbarrier.arrive $0xFFFF  }
0x3b: {  	s31 =	simm.s32 $0x2;
	[sflag:s2] =	ssyncpa.u1 $0x1  }
0x3c: {  	[sflag:s31] =	ssyncpa.u1 $0x1  }
0x3d: {  	p0 =	sne.s32 s0, $0x0;
	_ =	strace $0x9000004A  }
0x3e: {  	s0 =	sadd.s32 @!p0 $0x100000, s1;
	[bflag:$0x2] =	sbarrier.arrive $0xFFFF  }
0x3f: {  	[sflag:s0] =	ssyncadd.tile.s32 @!p0 $0x1;
	_ =	shalt  }
.Lfunc_end1:
_tile_overlayer_lowered:
.L_overlay_start_2:
0x40: {  	(tag) =	ssettag $0x2  }
0x41: {  	s0 =	rddreg [dreg:$0x0];
	s2 =	stileid.u32  }
0x42: {  	s1 =	rddreg [dreg:$0x1];
	p0 =	sne.s32 s2, $0x0  }
0x43: {  	s3 =	rddreg [dreg:$0x2];
	[bflag:$0x3] =	sbarrier.arrive $0xFFFF;
	s2 =	simm.s32 @!p0 $0x1C01  }
0x44: {  	[timem:s3], [sflag:s2] =	dma.local @!p0 [hbm:s0], s1  }
0x45: {  	s0 =	simm.s32 @!p0 $0x1  }
0x46: {  	_ =	swait.ge @!p0 [sflag:s0], s1  }
0x47: {  	s1 =	ssub.s32 @!p0 $0x0, s1;
	[sflag:s0] =	ssyncset.done @!p0 $0x0  }
0x48: {  	[sflag:s0] =	ssyncadd.s32 @!p0 s1  }
0x49: {  	[bflag:$0x3] =	sbarrier.arrive $0xFFFF  }
0x4a: {  	_ =	shalt  }

</sc_bundles>
